<compile_context>
chip_gen: v7x
topology: tpu7x:2x2x1
jax: 0.10.2.dev20260603
libtpu: 0.0.44.dev20260713+nightly
codegen_flags: <defaults>
</compile_context>

<pallas_src>
import functools

import jax
import jax.numpy as jnp
from jax import lax
from jax.experimental import pallas as pl
from jax.experimental.pallas import tpu as pltpu
from jax.experimental.pallas import tpu_sc as plsc

N = 10000
E = 320000
H = 128
BN = 1024
GRID = (N + BN - 1) // BN
CHUNK = 4000
NCHUNK = E // CHUNK
NGROUP = CHUNK // 16
NEG = float('-inf')
_P = jax.lax.Precision.HIGHEST


def _tc_pre_body(xb_ref, xf_ref, hb_ref, hf_ref,
                 ew0b_ref, ewhb_ref, ebb_ref, ew0f_ref, ewhf_ref, ebf_ref,
                 mw1_ref, mw2_ref, mbt_ref,
                 zb_ref, zf_ref, abt_b_ref, abt_f_ref, btall_ref):
    xb = xb_ref[...]
    xf = xf_ref[...]
    hb = hb_ref[...]
    hf = hf_ref[...]
    zb = jnp.maximum(xb * ew0b_ref[...] + jnp.dot(hb, ewhb_ref[...], precision=_P)
                     + ebb_ref[...], 0.0)
    zf = jnp.maximum(xf * ew0f_ref[...] + jnp.dot(hf, ewhf_ref[...], precision=_P)
                     + ebf_ref[...], 0.0)
    zb_ref[...] = zb
    zf_ref[...] = zf
    mw1 = mw1_ref[...]
    mw2 = mw2_ref[...]
    mbt = mbt_ref[...]
    abt_b_ref[...] = lax.dot_general(mw1, zb, (((0,), (1,)), ((), ())),
                                     precision=_P) + mbt
    abt_f_ref[...] = lax.dot_general(mw1, zf, (((0,), (1,)), ((), ())),
                                     precision=_P) + mbt
    bt_b = lax.dot_general(mw2, zb, (((0,), (1,)), ((), ())), precision=_P)
    bt_f = lax.dot_general(mw2, zf, (((0,), (1,)), ((), ())), precision=_P)
    btall_ref[...] = jnp.concatenate([bt_b, bt_f], axis=0)


def _tc_pre(bfs_x, bf_x, bfs_pre_h, bf_pre_h, ew0b, ewhb, ebb, ew0f, ewhf, ebf,
            mw1, mw2, mbt):
    row_spec1 = pl.BlockSpec((BN, 1), lambda i: (i, 0))
    row_specH = pl.BlockSpec((BN, H), lambda i: (i, 0))
    full = lambda shape: pl.BlockSpec(shape, lambda i: tuple(0 for _ in shape))
    colT_spec = pl.BlockSpec((H, BN), lambda i: (0, i))
    colT2_spec = pl.BlockSpec((2 * H, BN), lambda i: (0, i))
    return pl.pallas_call(
        _tc_pre_body,
        grid=(GRID,),
        in_specs=[row_spec1, row_spec1, row_specH, row_specH,
                  full((1, H)), full((H, H)), full((1, H)),
                  full((1, H)), full((H, H)), full((1, H)),
                  full((H, H)), full((H, H)), full((H, 1))],
        out_specs=[row_specH, row_specH, colT_spec, colT_spec, colT2_spec],
        out_shape=[jax.ShapeDtypeStruct((N, H), jnp.float32),
                   jax.ShapeDtypeStruct((N, H), jnp.float32),
                   jax.ShapeDtypeStruct((H, N), jnp.float32),
                   jax.ShapeDtypeStruct((H, N), jnp.float32),
                   jax.ShapeDtypeStruct((2 * H, N), jnp.float32)],
    )(bfs_x, bf_x, bfs_pre_h, bf_pre_h, ew0b, ewhb, ebb, ew0f, ewhf, ebf,
      mw1, mw2, mbt)


NEGPAIR = -8454144


def _sc_body(bt_hbm, edges_hbm, w_hbm, out_hbm,
             bv0, bv1, bv2, bv3, acc0, acc1, acc2, acc3,
             tmp, tmp2, eb0, eb1, wv, sem0, sem1):
    wid = lax.axis_index("s") * 2 + lax.axis_index("c")
    pltpu.sync_copy(w_hbm, wv)
    lane = lax.iota(jnp.int32, 16)
    bvs = [bv0, bv1, bv2, bv3]
    accs = [acc0, acc1, acc2, acc3]
    ebufs = [eb0, eb1]
    sems = [sem0, sem1]
    W3 = 3 * CHUNK

    def _start(ci, b):
        pltpu.async_copy(edges_hbm.at[pl.ds(ci * W3, W3)], ebufs[b], sems[b])

    def _wait(b):
        pltpu.make_async_copy(edges_hbm.at[pl.ds(0, W3)], ebufs[b],
                              sems[b]).wait()

    r0 = wid * 4
    for j in range(4):
        pltpu.sync_copy(bt_hbm.at[pl.ds((r0 + j) * N, N)], bvs[j])

    def _init(k, _):
        for j in range(4):
            accs[j][pl.ds(k * 16, 16)] = jnp.full((16,), NEGPAIR, jnp.int32)
        return 0
    lax.fori_loop(0, N // 16, _init, 0)

    wspl = [(plsc.load_gather(
                wv, [jnp.broadcast_to(2 * (r0 + j), (16,)).astype(jnp.int32)]),
             plsc.load_gather(
                wv, [jnp.broadcast_to(2 * (r0 + j) + 1, (16,)).astype(jnp.int32)]))
            for j in range(4)]

    def _process(b):
        eb = ebufs[b]
        tmps = [tmp, tmp2]

        def _one(base, arb):
            svec = eb[pl.ds(base, 16)]
            dvec = eb[pl.ds(CHUNK + base, 16)]
            avec = plsc.bitcast(eb[pl.ds(2 * CHUNK + base, 16)],
                                jnp.float32)
            plsc.store_scatter(arb, [dvec], lane)
            win = plsc.load_gather(arb, [dvec]) == lane
            vals = []
            for j in range(4):
                blo, bhi = plsc.unpack(
                    plsc.bitcast(plsc.load_gather(bvs[j], [svec]),
                                 jnp.bfloat16),
                    format=plsc.PackFormat.INTERLEAVED)
                vlo = blo + avec * wspl[j][0]
                vhi = bhi + avec * wspl[j][1]
                vals.append((vlo, vhi))
                alo, ahi = plsc.unpack(
                    plsc.bitcast(plsc.load_gather(accs[j], [dvec]),
                                 jnp.bfloat16),
                    format=plsc.PackFormat.INTERLEAVED)
                nv = plsc.bitcast(
                    plsc.pack(jnp.maximum(alo, vlo), jnp.maximum(ahi, vhi),
                              format=plsc.PackFormat.INTERLEAVED), jnp.int32)
                plsc.store_scatter(accs[j], [dvec], nv, mask=win)
            lose = jnp.logical_not(win)

            @pl.when(jnp.any(lose))
            def _():
                def _cond(m):
                    return jnp.any(m)

                def _body(m):
                    plsc.store_scatter(arb, [dvec], lane, mask=m)
                    w2 = jnp.logical_and(
                        m, plsc.load_gather(arb, [dvec]) == lane)
                    for j in range(4):
                        alo2, ahi2 = plsc.unpack(
                            plsc.bitcast(plsc.load_gather(accs[j], [dvec]),
                                         jnp.bfloat16),
                            format=plsc.PackFormat.INTERLEAVED)
                        nv2 = plsc.bitcast(
                            plsc.pack(jnp.maximum(alo2, vals[j][0]),
                                      jnp.maximum(ahi2, vals[j][1]),
                                      format=plsc.PackFormat.INTERLEAVED),
                            jnp.int32)
                        plsc.store_scatter(accs[j], [dvec], nv2, mask=w2)
                    return jnp.logical_and(m, jnp.logical_not(w2))
                lax.while_loop(_cond, _body, lose)

        def _group2(u, _):
            for t in range(2):
                _one((u * 2 + t) * 16, tmps[t])
            return 0
        lax.fori_loop(0, NGROUP // 2, _group2, 0)

    _start(0, 0)
    _start(1, 1)

    def _pair(k, _):
        c0 = k * 2

        for b in range(2):
            _wait(b)
            _process(b)

            @pl.when(c0 + 2 + b < NCHUNK)
            def _():
                _start(c0 + 2 + b, b)
        return 0
    lax.fori_loop(0, NCHUNK // 2, _pair, 0)

    for j in range(4):
        pltpu.sync_copy(accs[j], out_hbm.at[pl.ds((r0 + j) * N, N)])


def _sc_segmax(btpacked, edges, wall):
    mesh = plsc.VectorSubcoreMesh(core_axis_name="c", subcore_axis_name="s")
    return pl.kernel(
        _sc_body,
        out_type=jax.ShapeDtypeStruct((H * N,), jnp.int32),
        mesh=mesh,
        compiler_params=pltpu.CompilerParams(needs_layout_passes=False),
        scratch_types=(
            [pltpu.VMEM((N,), jnp.int32) for _ in range(4)]
            + [pltpu.VMEM((N,), jnp.int32) for _ in range(4)]
            + [pltpu.VMEM((N,), jnp.int32),
               pltpu.VMEM((N,), jnp.int32),
               pltpu.VMEM((3 * CHUNK,), jnp.int32),
               pltpu.VMEM((3 * CHUNK,), jnp.int32),
               pltpu.VMEM((2 * H,), jnp.float32),
               pltpu.SemaphoreType.DMA,
               pltpu.SemaphoreType.DMA]
        ),
    )(btpacked, edges, wall)


def _tc_post_body(zb_ref, zf_ref, abt_b_ref, abt_f_ref, seg_ref,
                  u1_ref, u2_ref, ub_ref,
                  dzb_ref, dhb_ref, dbb_ref, dzf_ref, dhf_ref, dbf_ref,
                  twb_ref, tbb_ref, twf_ref, tbf_ref,
                  h_ref, y_ref, dist_ref, taub_ref, tauf_ref, hsb_ref, hsf_ref):
    i = pl.program_id(0)
    zb = zb_ref[...]
    zf = zf_ref[...]
    seg = seg_ref[...]
    aggrT_b = jnp.maximum(abt_b_ref[...] + seg[:H, :], 0.0)
    aggrT_f = jnp.maximum(abt_f_ref[...] + seg[H:, :], 0.0)
    u1 = u1_ref[...]
    u2 = u2_ref[...]
    ub = ub_ref[...]
    hb = jnp.maximum(jnp.dot(zb, u1, precision=_P)
                     + lax.dot_general(aggrT_b, u2, (((0,), (0,)), ((), ())),
                                       precision=_P) + ub, 0.0)
    hf = jnp.maximum(jnp.dot(zf, u1, precision=_P)
                     + lax.dot_general(aggrT_f, u2, (((0,), (0,)), ((), ())),
                                       precision=_P) + ub, 0.0)
    h_ref[...] = hb
    y_ref[...] = (jnp.dot(zb, dzb_ref[...], precision=_P)
                  + jnp.dot(hb, dhb_ref[...], precision=_P) + dbb_ref[...])
    dist_ref[...] = (jnp.dot(zf, dzf_ref[...], precision=_P)
                     + jnp.dot(hf, dhf_ref[...], precision=_P) + dbf_ref[...])

    valid = jnp.minimum(N - i * BN, BN)
    rmask = lax.broadcasted_iota(jnp.int32, (BN, 1), 0) < valid
    sb = jnp.sum(jnp.where(rmask, hb, 0.0), axis=0, keepdims=True)
    sf = jnp.sum(jnp.where(rmask, hf, 0.0), axis=0, keepdims=True)
    pad = jnp.zeros((7, H), jnp.float32)
    sb8 = jnp.concatenate([sb, pad], axis=0)
    sf8 = jnp.concatenate([sf, pad], axis=0)

    @pl.when(i == 0)
    def _():
        hsb_ref[...] = jnp.zeros((8, H), jnp.float32)
        hsf_ref[...] = jnp.zeros((8, H), jnp.float32)

    hsb_ref[...] += sb8
    hsf_ref[...] += sf8

    @pl.when(i == GRID - 1)
    def _():
        hmb = hsb_ref[0:1, :] * jnp.float32(1.0 / N)
        hmf = hsf_ref[0:1, :] * jnp.float32(1.0 / N)
        taub_ref[...] = jax.nn.sigmoid(
            jnp.dot(hmb, twb_ref[...], precision=_P) + tbb_ref[...])
        tauf_ref[...] = jax.nn.sigmoid(
            jnp.dot(hmf, twf_ref[...], precision=_P) + tbf_ref[...])


def _tc_post(zb, zf, abt_b, abt_f, seg, u1, u2, ub,
             dzb, dhb, dbb, dzf, dhf, dbf, twb, tbb, twf, tbf):
    row_specH = pl.BlockSpec((BN, H), lambda i: (i, 0))
    row_spec1 = pl.BlockSpec((BN, 1), lambda i: (i, 0))
    colT_spec = pl.BlockSpec((H, BN), lambda i: (0, i))
    colT2_spec = pl.BlockSpec((2 * H, BN), lambda i: (0, i))
    full = lambda shape: pl.BlockSpec(shape, lambda i: tuple(0 for _ in shape))
    return pl.pallas_call(
        _tc_post_body,
        grid=(GRID,),
        in_specs=[row_specH, row_specH, colT_spec, colT_spec, colT2_spec,
                  full((H, H)), full((H, H)), full((1, H)),
                  full((H, 1)), full((H, 1)), full((1, 1)),
                  full((H, 1)), full((H, 1)), full((1, 1)),
                  full((H, 1)), full((1, 1)), full((H, 1)), full((1, 1))],
        out_specs=[row_specH, row_spec1, row_spec1,
                   full((1, 1)), full((1, 1)), full((8, H)), full((8, H))],
        out_shape=[jax.ShapeDtypeStruct((N, H), jnp.float32),
                   jax.ShapeDtypeStruct((N, 1), jnp.float32),
                   jax.ShapeDtypeStruct((N, 1), jnp.float32),
                   jax.ShapeDtypeStruct((1, 1), jnp.float32),
                   jax.ShapeDtypeStruct((1, 1), jnp.float32),
                   jax.ShapeDtypeStruct((8, H), jnp.float32),
                   jax.ShapeDtypeStruct((8, H), jnp.float32)],
    )(zb, zf, abt_b, abt_f, seg, u1, u2, ub,
      dzb, dhb, dbb, dzf, dhf, dbf, twb, tbb, twf, tbf)


def kernel(bfs_x, bf_x, bfs_pre_h, bf_pre_h, edge_index, edge_attr, params):
    src = edge_index[0].astype(jnp.int32)
    dst = edge_index[1].astype(jnp.int32)
    attr = edge_attr.reshape(E).astype(jnp.float32)

    p = params
    ew0b = p['enc_bfs_W'][0:1]
    ewhb = p['enc_bfs_W'][1:]
    ebb = p['enc_bfs_b'].reshape(1, H)
    ew0f = p['enc_bf_W'][0:1]
    ewhf = p['enc_bf_W'][1:]
    ebf = p['enc_bf_b'].reshape(1, H)
    mw1 = p['M_W'][0:H]
    mw2 = p['M_W'][H:2 * H]
    wall = jnp.concatenate([p['M_W'][2 * H], p['M_W'][2 * H]], axis=0)
    mbt = p['M_b'].reshape(H, 1)
    u1 = p['U_W'][0:H]
    u2 = p['U_W'][H:]
    ub = p['U_b'].reshape(1, H)
    dzb = p['dec_bfs_W'][0:H]
    dhb = p['dec_bfs_W'][H:]
    dbb = p['dec_bfs_b'].reshape(1, 1)
    dzf = p['dec_bf_W'][0:H]
    dhf = p['dec_bf_W'][H:]
    dbf = p['dec_bf_b'].reshape(1, 1)
    twb = p['term_bfs_W'][0:H] + p['term_bfs_W'][H:]
    tbb = p['term_bfs_b'].reshape(1, 1)
    twf = p['term_bf_W'][0:H] + p['term_bf_W'][H:]
    tbf = p['term_bf_b'].reshape(1, 1)

    zb, zf, abt_b, abt_f, btall = _tc_pre(
        bfs_x, bf_x, bfs_pre_h, bf_pre_h,
        ew0b, ewhb, ebb, ew0f, ewhf, ebf, mw1, mw2, mbt)

    attr_bits = lax.bitcast_convert_type(attr, jnp.int32)
    edges = jnp.concatenate(
        [src.reshape(NCHUNK, CHUNK), dst.reshape(NCHUNK, CHUNK),
         attr_bits.reshape(NCHUNK, CHUNK)], axis=1).reshape(3 * E)
    vb = jnp.swapaxes(btall.reshape(H, 2, N).astype(jnp.bfloat16), 1, 2)
    btp = lax.bitcast_convert_type(vb, jnp.int32).reshape(H * N)
    segp = _sc_segmax(btp, edges, wall).reshape(H, N)
    seg = jnp.swapaxes(
        lax.bitcast_convert_type(segp, jnp.bfloat16), 1, 2
    ).reshape(2 * H, N).astype(jnp.float32)

    bfs_h, y, dist, taub, tauf, _, _ = _tc_post(
        zb, zf, abt_b, abt_f, seg, u1, u2, ub,
        dzb, dhb, dbb, dzf, dhf, dbf, twb, tbb, twf, tbf)

    return (bfs_h, bfs_h, y, dist, taub, tauf)

# --- scband reference (transcript-rebuilt; emitter-appended) ---
"""Pipeline reference for scband-bfs-bf-distance-neural-execution-71786083385417 (READ-ONLY COPY).

The authoritative reference and input builder live on the scoring server;
editing this copy changes nothing except your own understanding.
"""

import jax, jax.numpy as jnp
import numpy as np

N = 10000
E = 320000
H = 128


def _pn(key, shape, scale=0.05):
    return jax.random.normal(key, shape, dtype=jnp.float32) * scale


def setup_inputs(seed: int = 0) -> dict:
    key = jax.random.key(seed)
    ks = jax.random.split(key, 24)
    params = {
        'enc_bfs_W': _pn(ks[6], (1 + H, H)), 'enc_bfs_b': jnp.zeros((H,), jnp.float32),
        'enc_bf_W': _pn(ks[7], (1 + H, H)), 'enc_bf_b': jnp.zeros((H,), jnp.float32),
        'M_W': _pn(ks[8], (2 * H + 1, H)), 'M_b': jnp.zeros((H,), jnp.float32),
        'U_W': _pn(ks[9], (2 * H, H)), 'U_b': jnp.zeros((H,), jnp.float32),
        'dec_bfs_W': _pn(ks[10], (2 * H, 1)), 'dec_bfs_b': jnp.zeros((1,), jnp.float32),
        'dec_bf_W': _pn(ks[11], (2 * H, 1)), 'dec_bf_b': jnp.zeros((1,), jnp.float32),
        'term_bfs_W': _pn(ks[12], (2 * H, 1)), 'term_bfs_b': jnp.zeros((1,), jnp.float32),
        'term_bf_W': _pn(ks[13], (2 * H, 1)), 'term_bf_b': jnp.zeros((1,), jnp.float32),
    }
    return {
        'bfs_x': jax.random.normal(ks[0], (N, 1), dtype=jnp.float32),
        'bf_x': jax.random.normal(ks[1], (N, 1), dtype=jnp.float32),
        'bfs_pre_h': jax.random.normal(ks[2], (N, H), dtype=jnp.float32),
        'bf_pre_h': jax.random.normal(ks[3], (N, H), dtype=jnp.float32),
        'edge_index': jax.random.randint(ks[4], (2, E), 0, N),
        'edge_attr': jax.random.uniform(ks[5], (E, 1), dtype=jnp.float32),
        'params': params,
    }


def _encoder(x, h, W, b):
    return jax.nn.relu(jnp.concatenate([x, h], axis=-1) @ W + b)


def _processor(z, edge_index, edge_attr, params, n_nodes):
    src = edge_index[0]
    dst = edge_index[1]
    z_i = jnp.take(z, dst, axis=0)
    z_j = jnp.take(z, src, axis=0)
    m = jax.nn.relu(jnp.concatenate([z_i, z_j, edge_attr], axis=-1) @ params['M_W'] + params['M_b'])
    aggr = jax.ops.segment_max(m, dst, num_segments=n_nodes)
    aggr = jnp.where(jnp.isfinite(aggr), aggr, 0.0)  # PyG fills empty segments with 0
    return jax.nn.relu(jnp.concatenate([z, aggr], axis=-1) @ params['U_W'] + params['U_b'])


def _decoder(z, h, W, b):
    return jnp.concatenate([z, h], axis=-1) @ W + b


def _terminator(h, W, b):
    n = h.shape[0]
    h_mean = jnp.mean(h, axis=0, keepdims=True)
    h_mean = jnp.broadcast_to(h_mean, (n, h.shape[1]))
    out = jnp.concatenate([h, h_mean], axis=-1) @ W + b
    out_mean = jnp.mean(out, axis=0, keepdims=True)
    return jax.nn.sigmoid(out_mean)


def reference(bfs_x, bf_x, bfs_pre_h, bf_pre_h, edge_index, edge_attr, params):
    n_nodes = bfs_x.shape[0]
    bfs_z = _encoder(bfs_x, bfs_pre_h, params['enc_bfs_W'], params['enc_bfs_b'])
    bf_z = _encoder(bf_x, bf_pre_h, params['enc_bf_W'], params['enc_bf_b'])
    bfs_h = _processor(bfs_z, edge_index, edge_attr, params, n_nodes)
    bf_h = _processor(bf_z, edge_index, edge_attr, params, n_nodes)
    y = _decoder(bfs_z, bfs_h, params['dec_bfs_W'], params['dec_bfs_b'])
    dist = _decoder(bf_z, bf_h, params['dec_bf_W'], params['dec_bf_b'])
    bfs_tau = _terminator(bfs_h, params['term_bfs_W'], params['term_bfs_b'])
    bf_tau = _terminator(bf_h, params['term_bf_W'], params['term_bf_b'])
    # Note: the original torch module sets output['bf_h'] = bfs_h (faithful reproduction)
    return (bfs_h, bfs_h, y, dist, bfs_tau, bf_tau)

if __name__ == "__main__":
    import jax
    _d = setup_inputs()
    print(jax.jit(kernel)(*tuple(_d.values())))

</pallas_src>

<mosaic_0001>
#map = affine_map<(d0, d1) -> (0)>
module attributes {stable_mosaic.version = 14 : i64} {
  func.func @_sc_body(%arg0: i32, %arg1: i32, %arg2: memref<1280000xi32, #tpu.memory_space<hbm>>, %arg3: memref<960000xi32, #tpu.memory_space<hbm>>, %arg4: memref<256xf32, #tpu.memory_space<hbm>>, %arg5: memref<1280000xi32, #tpu.memory_space<hbm>>, %arg6: memref<10000xi32, #tpu.memory_space<vmem>>, %arg7: memref<10000xi32, #tpu.memory_space<vmem>>, %arg8: memref<10000xi32, #tpu.memory_space<vmem>>, %arg9: memref<10000xi32, #tpu.memory_space<vmem>>, %arg10: memref<10000xi32, #tpu.memory_space<vmem>>, %arg11: memref<10000xi32, #tpu.memory_space<vmem>>, %arg12: memref<10000xi32, #tpu.memory_space<vmem>>, %arg13: memref<10000xi32, #tpu.memory_space<vmem>>, %arg14: memref<10000xi32, #tpu.memory_space<vmem>>, %arg15: memref<10000xi32, #tpu.memory_space<vmem>>, %arg16: memref<12000xi32, #tpu.memory_space<vmem>>, %arg17: memref<12000xi32, #tpu.memory_space<vmem>>, %arg18: memref<256xf32, #tpu.memory_space<vmem>>, %arg19: memref<!tpu.dma_semaphore, #tpu.memory_space<semaphore_mem>>, %arg20: memref<!tpu.dma_semaphore, #tpu.memory_space<semaphore_mem>>) attributes {dimension_semantics = [#tpu.dimension_semantics<core_parallel>, #tpu.dimension_semantics<subcore_parallel>], iteration_bounds = array<i64: 2, 16>, scalar_prefetch = 0 : i64, scratch_operands = 15 : i64, tpu.core_type = #tpu.core_type<sc_vector_subcore>, window_params = [{transform_indices = #map}, {transform_indices = #map}, {transform_indices = #map}, {transform_indices = #map}]} {
    %mul3A = arith.constant 2 : i32
    %mul3A_0 = arith.muli %arg1, %mul3A : i32
    %add3A = arith.addi %mul3A_0, %arg0 : i32
    "tpu.region"() ({
      %run_scoped3A = tpu.sem_alloc : memref<!tpu.dma_semaphore, #tpu.memory_space<semaphore_mem>>
      tpu.enqueue_dma source(%arg4 : memref<256xf32, #tpu.memory_space<hbm>>) target(%arg18 : memref<256xf32, #tpu.memory_space<vmem>>) target_semaphore(%run_scoped3A : memref<!tpu.dma_semaphore, #tpu.memory_space<semaphore_mem>>)
      tpu.wait_dma2 semaphore(%run_scoped3A : memref<!tpu.dma_semaphore, #tpu.memory_space<semaphore_mem>>) src(%arg4 : memref<256xf32, #tpu.memory_space<hbm>>) dst(%arg18 : memref<256xf32, #tpu.memory_space<vmem>>)
      tpu.yield
    }) : () -> ()
    %iota3A = tpu.iota {dimensions = array<i32: 0>} : vector<16xi32>
    %mul3A_1 = arith.constant 4 : i32
    %mul3A_2 = arith.muli %add3A, %mul3A_1 : i32
    %add3A_3 = arith.constant 0 : i32
    %add3A_4 = arith.addi %mul3A_2, %add3A_3 : i32
    %mul3A_5 = arith.constant 10000 : i32
    %mul3A_6 = arith.muli %add3A_4, %mul3A_5 : i32
    "tpu.region"() ({
      %run_scoped3A = tpu.sem_alloc : memref<!tpu.dma_semaphore, #tpu.memory_space<semaphore_mem>>
      %dma_start3A_109 = tpu.memref_slice %arg2[%mul3A_6] : memref<1280000xi32, #tpu.memory_space<hbm>> -> memref<10000xi32, #tpu.memory_space<hbm>>
      %dma_start3A_110 = tpu.memref_slice %arg2[%mul3A_6] : memref<1280000xi32, #tpu.memory_space<hbm>> -> memref<10000xi32, #tpu.memory_space<hbm>>
      tpu.enqueue_dma source(%dma_start3A_110 : memref<10000xi32, #tpu.memory_space<hbm>>) target(%arg6 : memref<10000xi32, #tpu.memory_space<vmem>>) target_semaphore(%run_scoped3A : memref<!tpu.dma_semaphore, #tpu.memory_space<semaphore_mem>>)
      %dma_wait3A = tpu.memref_slice %arg2[%mul3A_6] : memref<1280000xi32, #tpu.memory_space<hbm>> -> memref<10000xi32, #tpu.memory_space<hbm>>
      %dma_wait3A_111 = tpu.memref_slice %arg2[%mul3A_6] : memref<1280000xi32, #tpu.memory_space<hbm>> -> memref<10000xi32, #tpu.memory_space<hbm>>
      tpu.wait_dma2 semaphore(%run_scoped3A : memref<!tpu.dma_semaphore, #tpu.memory_space<semaphore_mem>>) src(%dma_wait3A_111 : memref<10000xi32, #tpu.memory_space<hbm>>) dst(%arg6 : memref<10000xi32, #tpu.memory_space<vmem>>)
      tpu.yield
    }) : () -> ()
    %add3A_7 = arith.constant 1 : i32
    %add3A_8 = arith.addi %mul3A_2, %add3A_7 : i32
    %mul3A_9 = arith.constant 10000 : i32
    %mul3A_10 = arith.muli %add3A_8, %mul3A_9 : i32
    "tpu.region"() ({
      %run_scoped3A = tpu.sem_alloc : memref<!tpu.dma_semaphore, #tpu.memory_space<semaphore_mem>>
      %dma_start3A_109 = tpu.memref_slice %arg2[%mul3A_10] : memref<1280000xi32, #tpu.memory_space<hbm>> -> memref<10000xi32, #tpu.memory_space<hbm>>
      %dma_start3A_110 = tpu.memref_slice %arg2[%mul3A_10] : memref<1280000xi32, #tpu.memory_space<hbm>> -> memref<10000xi32, #tpu.memory_space<hbm>>
      tpu.enqueue_dma source(%dma_start3A_110 : memref<10000xi32, #tpu.memory_space<hbm>>) target(%arg7 : memref<10000xi32, #tpu.memory_space<vmem>>) target_semaphore(%run_scoped3A : memref<!tpu.dma_semaphore, #tpu.memory_space<semaphore_mem>>)
      %dma_wait3A = tpu.memref_slice %arg2[%mul3A_10] : memref<1280000xi32, #tpu.memory_space<hbm>> -> memref<10000xi32, #tpu.memory_space<hbm>>
      %dma_wait3A_111 = tpu.memref_slice %arg2[%mul3A_10] : memref<1280000xi32, #tpu.memory_space<hbm>> -> memref<10000xi32, #tpu.memory_space<hbm>>
      tpu.wait_dma2 semaphore(%run_scoped3A : memref<!tpu.dma_semaphore, #tpu.memory_space<semaphore_mem>>) src(%dma_wait3A_111 : memref<10000xi32, #tpu.memory_space<hbm>>) dst(%arg7 : memref<10000xi32, #tpu.memory_space<vmem>>)
      tpu.yield
    }) : () -> ()
    %add3A_11 = arith.constant 2 : i32
    %add3A_12 = arith.addi %mul3A_2, %add3A_11 : i32
    %mul3A_13 = arith.constant 10000 : i32
    %mul3A_14 = arith.muli %add3A_12, %mul3A_13 : i32
    "tpu.region"() ({
      %run_scoped3A = tpu.sem_alloc : memref<!tpu.dma_semaphore, #tpu.memory_space<semaphore_mem>>
      %dma_start3A_109 = tpu.memref_slice %arg2[%mul3A_14] : memref<1280000xi32, #tpu.memory_space<hbm>> -> memref<10000xi32, #tpu.memory_space<hbm>>
      %dma_start3A_110 = tpu.memref_slice %arg2[%mul3A_14] : memref<1280000xi32, #tpu.memory_space<hbm>> -> memref<10000xi32, #tpu.memory_space<hbm>>
      tpu.enqueue_dma source(%dma_start3A_110 : memref<10000xi32, #tpu.memory_space<hbm>>) target(%arg8 : memref<10000xi32, #tpu.memory_space<vmem>>) target_semaphore(%run_scoped3A : memref<!tpu.dma_semaphore, #tpu.memory_space<semaphore_mem>>)
      %dma_wait3A = tpu.memref_slice %arg2[%mul3A_14] : memref<1280000xi32, #tpu.memory_space<hbm>> -> memref<10000xi32, #tpu.memory_space<hbm>>
      %dma_wait3A_111 = tpu.memref_slice %arg2[%mul3A_14] : memref<1280000xi32, #tpu.memory_space<hbm>> -> memref<10000xi32, #tpu.memory_space<hbm>>
      tpu.wait_dma2 semaphore(%run_scoped3A : memref<!tpu.dma_semaphore, #tpu.memory_space<semaphore_mem>>) src(%dma_wait3A_111 : memref<10000xi32, #tpu.memory_space<hbm>>) dst(%arg8 : memref<10000xi32, #tpu.memory_space<vmem>>)
      tpu.yield
    }) : () -> ()
    %add3A_15 = arith.constant 3 : i32
    %add3A_16 = arith.addi %mul3A_2, %add3A_15 : i32
    %mul3A_17 = arith.constant 10000 : i32
    %mul3A_18 = arith.muli %add3A_16, %mul3A_17 : i32
    "tpu.region"() ({
      %run_scoped3A = tpu.sem_alloc : memref<!tpu.dma_semaphore, #tpu.memory_space<semaphore_mem>>
      %dma_start3A_109 = tpu.memref_slice %arg2[%mul3A_18] : memref<1280000xi32, #tpu.memory_space<hbm>> -> memref<10000xi32, #tpu.memory_space<hbm>>
      %dma_start3A_110 = tpu.memref_slice %arg2[%mul3A_18] : memref<1280000xi32, #tpu.memory_space<hbm>> -> memref<10000xi32, #tpu.memory_space<hbm>>
      tpu.enqueue_dma source(%dma_start3A_110 : memref<10000xi32, #tpu.memory_space<hbm>>) target(%arg9 : memref<10000xi32, #tpu.memory_space<vmem>>) target_semaphore(%run_scoped3A : memref<!tpu.dma_semaphore, #tpu.memory_space<semaphore_mem>>)
      %dma_wait3A = tpu.memref_slice %arg2[%mul3A_18] : memref<1280000xi32, #tpu.memory_space<hbm>> -> memref<10000xi32, #tpu.memory_space<hbm>>
      %dma_wait3A_111 = tpu.memref_slice %arg2[%mul3A_18] : memref<1280000xi32, #tpu.memory_space<hbm>> -> memref<10000xi32, #tpu.memory_space<hbm>>
      tpu.wait_dma2 semaphore(%run_scoped3A : memref<!tpu.dma_semaphore, #tpu.memory_space<semaphore_mem>>) src(%dma_wait3A_111 : memref<10000xi32, #tpu.memory_space<hbm>>) dst(%arg9 : memref<10000xi32, #tpu.memory_space<vmem>>)
      tpu.yield
    }) : () -> ()
    %scan3A = arith.constant 0 : i32
    %scan3A_19 = arith.constant 0 : i32
    %scan3A_20 = arith.constant 625 : i32
    %scan3A_21 = arith.addi %scan3A_19, %scan3A_20 : i32
    %scan3A_22 = arith.constant 1 : i32
    %scan3A_23 = scf.for %scan3A_109 = %scan3A_19 to %scan3A_21 step %scan3A_22 iter_args(%scan3A_110 = %scan3A) -> (i32)  : i32 {
      %broadcast_in_dim3A_111 = arith.constant -8454144 : i32
      %broadcast_in_dim3A_112 = vector.broadcast %broadcast_in_dim3A_111 : i32 to vector<16xi32>
      %mul3A_113 = arith.constant 16 : i32
      %mul3A_114 = arith.muli %scan3A_109, %mul3A_113 : i32
      %swap3A = arith.index_cast %mul3A_114 : i32 to index
      %swap3A_115 = tpu.vector_load %arg10[%swap3A] {strides = array<i32>} : memref<10000xi32, #tpu.memory_space<vmem>>, vector<16xi32>,
      tpu.vector_store %arg10[%swap3A], %broadcast_in_dim3A_112 {strides = array<i32>} : memref<10000xi32, #tpu.memory_space<vmem>>, vector<16xi32>,
      %broadcast_in_dim3A_116 = arith.constant -8454144 : i32
      %broadcast_in_dim3A_117 = vector.broadcast %broadcast_in_dim3A_116 : i32 to vector<16xi32>
      %mul3A_118 = arith.constant 16 : i32
      %mul3A_119 = arith.muli %scan3A_109, %mul3A_118 : i32
      %swap3A_120 = arith.index_cast %mul3A_119 : i32 to index
      %swap3A_121 = tpu.vector_load %arg11[%swap3A_120] {strides = array<i32>} : memref<10000xi32, #tpu.memory_space<vmem>>, vector<16xi32>,
      tpu.vector_store %arg11[%swap3A_120], %broadcast_in_dim3A_117 {strides = array<i32>} : memref<10000xi32, #tpu.memory_space<vmem>>, vector<16xi32>,
      %broadcast_in_dim3A_122 = arith.constant -8454144 : i32
      %broadcast_in_dim3A_123 = vector.broadcast %broadcast_in_dim3A_122 : i32 to vector<16xi32>
      %mul3A_124 = arith.constant 16 : i32
      %mul3A_125 = arith.muli %scan3A_109, %mul3A_124 : i32
      %swap3A_126 = arith.index_cast %mul3A_125 : i32 to index
      %swap3A_127 = tpu.vector_load %arg12[%swap3A_126] {strides = array<i32>} : memref<10000xi32, #tpu.memory_space<vmem>>, vector<16xi32>,
      tpu.vector_store %arg12[%swap3A_126], %broadcast_in_dim3A_123 {strides = array<i32>} : memref<10000xi32, #tpu.memory_space<vmem>>, vector<16xi32>,
      %broadcast_in_dim3A_128 = arith.constant -8454144 : i32
      %broadcast_in_dim3A_129 = vector.broadcast %broadcast_in_dim3A_128 : i32 to vector<16xi32>
      %mul3A_130 = arith.constant 16 : i32
      %mul3A_131 = arith.muli %scan3A_109, %mul3A_130 : i32
      %swap3A_132 = arith.index_cast %mul3A_131 : i32 to index
      %swap3A_133 = tpu.vector_load %arg13[%swap3A_132] {strides = array<i32>} : memref<10000xi32, #tpu.memory_space<vmem>>, vector<16xi32>,
      tpu.vector_store %arg13[%swap3A_132], %broadcast_in_dim3A_129 {strides = array<i32>} : memref<10000xi32, #tpu.memory_space<vmem>>, vector<16xi32>,
      %scan3A_134 = arith.constant 0 : i32
      scf.yield %scan3A_134 : i32
    }
    %scan3A_24 = arith.constant 625 : i32
    %add3A_25 = arith.constant 0 : i32
    %add3A_26 = arith.addi %mul3A_2, %add3A_25 : i32
    %mul3A_27 = arith.constant 2 : i32
    %mul3A_28 = arith.muli %mul3A_27, %add3A_26 : i32
    %broadcast_in_dim3A = vector.broadcast %mul3A_28 : i32 to vector<16xi32>
    %gather3A = tpu.vector_load_idx %arg18[%broadcast_in_dim3A] : memref<256xf32, #tpu.memory_space<vmem>>[vector<16xi32>], vector<16xf32>,
    %add3A_29 = arith.constant 0 : i32
    %add3A_30 = arith.addi %mul3A_2, %add3A_29 : i32
    %mul3A_31 = arith.constant 2 : i32
    %mul3A_32 = arith.muli %mul3A_31, %add3A_30 : i32
    %add3A_33 = arith.constant 1 : i32
    %add3A_34 = arith.addi %mul3A_32, %add3A_33 : i32
    %broadcast_in_dim3A_35 = vector.broadcast %add3A_34 : i32 to vector<16xi32>
    %gather3A_36 = tpu.vector_load_idx %arg18[%broadcast_in_dim3A_35] : memref<256xf32, #tpu.memory_space<vmem>>[vector<16xi32>], vector<16xf32>,
    %add3A_37 = arith.constant 1 : i32
    %add3A_38 = arith.addi %mul3A_2, %add3A_37 : i32
    %mul3A_39 = arith.constant 2 : i32
    %mul3A_40 = arith.muli %mul3A_39, %add3A_38 : i32
    %broadcast_in_dim3A_41 = vector.broadcast %mul3A_40 : i32 to vector<16xi32>
    %gather3A_42 = tpu.vector_load_idx %arg18[%broadcast_in_dim3A_41] : memref<256xf32, #tpu.memory_space<vmem>>[vector<16xi32>], vector<16xf32>,
    %add3A_43 = arith.constant 1 : i32
    %add3A_44 = arith.addi %mul3A_2, %add3A_43 : i32
    %mul3A_45 = arith.constant 2 : i32
    %mul3A_46 = arith.muli %mul3A_45, %add3A_44 : i32
    %add3A_47 = arith.constant 1 : i32
    %add3A_48 = arith.addi %mul3A_46, %add3A_47 : i32
    %broadcast_in_dim3A_49 = vector.broadcast %add3A_48 : i32 to vector<16xi32>
    %gather3A_50 = tpu.vector_load_idx %arg18[%broadcast_in_dim3A_49] : memref<256xf32, #tpu.memory_space<vmem>>[vector<16xi32>], vector<16xf32>,
    %add3A_51 = arith.constant 2 : i32
    %add3A_52 = arith.addi %mul3A_2, %add3A_51 : i32
    %mul3A_53 = arith.constant 2 : i32
    %mul3A_54 = arith.muli %mul3A_53, %add3A_52 : i32
    %broadcast_in_dim3A_55 = vector.broadcast %mul3A_54 : i32 to vector<16xi32>
    %gather3A_56 = tpu.vector_load_idx %arg18[%broadcast_in_dim3A_55] : memref<256xf32, #tpu.memory_space<vmem>>[vector<16xi32>], vector<16xf32>,
    %add3A_57 = arith.constant 2 : i32
    %add3A_58 = arith.addi %mul3A_2, %add3A_57 : i32
    %mul3A_59 = arith.constant 2 : i32
    %mul3A_60 = arith.muli %mul3A_59, %add3A_58 : i32
    %add3A_61 = arith.constant 1 : i32
    %add3A_62 = arith.addi %mul3A_60, %add3A_61 : i32
    %broadcast_in_dim3A_63 = vector.broadcast %add3A_62 : i32 to vector<16xi32>
    %gather3A_64 = tpu.vector_load_idx %arg18[%broadcast_in_dim3A_63] : memref<256xf32, #tpu.memory_space<vmem>>[vector<16xi32>], vector<16xf32>,
    %add3A_65 = arith.constant 3 : i32
    %add3A_66 = arith.addi %mul3A_2, %add3A_65 : i32
    %mul3A_67 = arith.constant 2 : i32
    %mul3A_68 = arith.muli %mul3A_67, %add3A_66 : i32
    %broadcast_in_dim3A_69 = vector.broadcast %mul3A_68 : i32 to vector<16xi32>
    %gather3A_70 = tpu.vector_load_idx %arg18[%broadcast_in_dim3A_69] : memref<256xf32, #tpu.memory_space<vmem>>[vector<16xi32>], vector<16xf32>,
    %add3A_71 = arith.constant 3 : i32
    %add3A_72 = arith.addi %mul3A_2, %add3A_71 : i32
    %mul3A_73 = arith.constant 2 : i32
    %mul3A_74 = arith.muli %mul3A_73, %add3A_72 : i32
    %add3A_75 = arith.constant 1 : i32
    %add3A_76 = arith.addi %mul3A_74, %add3A_75 : i32
    %broadcast_in_dim3A_77 = vector.broadcast %add3A_76 : i32 to vector<16xi32>
    %gather3A_78 = tpu.vector_load_idx %arg18[%broadcast_in_dim3A_77] : memref<256xf32, #tpu.memory_space<vmem>>[vector<16xi32>], vector<16xf32>,
    %dma_start3A = arith.constant 0 : i32
    %dma_start3A_79 = tpu.memref_slice %arg3[%dma_start3A] : memref<960000xi32, #tpu.memory_space<hbm>> -> memref<12000xi32, #tpu.memory_space<hbm>>
    %dma_start3A_80 = arith.constant 0 : i32
    %dma_start3A_81 = tpu.memref_slice %arg3[%dma_start3A_80] : memref<960000xi32, #tpu.memory_space<hbm>> -> memref<12000xi32, #tpu.memory_space<hbm>>
    tpu.enqueue_dma source(%dma_start3A_81 : memref<12000xi32, #tpu.memory_space<hbm>>) target(%arg16 : memref<12000xi32, #tpu.memory_space<vmem>>) target_semaphore(%arg19 : memref<!tpu.dma_semaphore, #tpu.memory_space<semaphore_mem>>)
    %dma_start3A_82 = arith.constant 12000 : i32
    %dma_start3A_83 = tpu.memref_slice %arg3[%dma_start3A_82] : memref<960000xi32, #tpu.memory_space<hbm>> -> memref<12000xi32, #tpu.memory_space<hbm>>
    %dma_start3A_84 = arith.constant 12000 : i32
    %dma_start3A_85 = tpu.memref_slice %arg3[%dma_start3A_84] : memref<960000xi32, #tpu.memory_space<hbm>> -> memref<12000xi32, #tpu.memory_space<hbm>>
    tpu.enqueue_dma source(%dma_start3A_85 : memref<12000xi32, #tpu.memory_space<hbm>>) target(%arg17 : memref<12000xi32, #tpu.memory_space<vmem>>) target_semaphore(%arg20 : memref<!tpu.dma_semaphore, #tpu.memory_space<semaphore_mem>>)
    %scan3A_86 = arith.constant 0 : i32
    %scan3A_87 = arith.constant 0 : i32
    %scan3A_88 = arith.constant 40 : i32
    %scan3A_89 = arith.addi %scan3A_87, %scan3A_88 : i32
    %scan3A_90 = arith.constant 1 : i32
    %scan3A_91 = scf.for %scan3A_109 = %scan3A_87 to %scan3A_89 step %scan3A_90 iter_args(%scan3A_110 = %scan3A_86) -> (i32)  : i32 {
      %mul3A_111 = arith.constant 2 : i32
      %mul3A_112 = arith.muli %scan3A_109, %mul3A_111 : i32
      %dma_wait3A = arith.constant 0 : i32
      %dma_wait3A_113 = tpu.memref_slice %arg3[%dma_wait3A] : memref<960000xi32, #tpu.memory_space<hbm>> -> memref<12000xi32, #tpu.memory_space<hbm>>
      %dma_wait3A_114 = arith.constant 0 : i32
      %dma_wait3A_115 = tpu.memref_slice %arg3[%dma_wait3A_114] : memref<960000xi32, #tpu.memory_space<hbm>> -> memref<12000xi32, #tpu.memory_space<hbm>>
      tpu.wait_dma2 semaphore(%arg19 : memref<!tpu.dma_semaphore, #tpu.memory_space<semaphore_mem>>) src(%dma_wait3A_115 : memref<12000xi32, #tpu.memory_space<hbm>>) dst(%arg16 : memref<12000xi32, #tpu.memory_space<vmem>>)
      %scan3A_116 = arith.constant 0 : i32
      %scan3A_117 = arith.constant 0 : i32
      %scan3A_118 = arith.constant 125 : i32
      %scan3A_119 = arith.addi %scan3A_117, %scan3A_118 : i32
      %scan3A_120 = arith.constant 1 : i32
      %scan3A_121 = scf.for %scan3A_150 = %scan3A_117 to %scan3A_119 step %scan3A_120 iter_args(%scan3A_151 = %scan3A_116) -> (i32)  : i32 {
        %mul3A_152 = arith.constant 2 : i32
        %mul3A_153 = arith.muli %scan3A_150, %mul3A_152 : i32
        %add3A_154 = arith.constant 0 : i32
        %add3A_155 = arith.addi %mul3A_153, %add3A_154 : i32
        %mul3A_156 = arith.constant 16 : i32
        %mul3A_157 = arith.muli %add3A_155, %mul3A_156 : i32
        %get3A = arith.index_cast %mul3A_157 : i32 to index
        %get3A_158 = tpu.vector_load %arg16[%get3A] {strides = array<i32>} : memref<12000xi32, #tpu.memory_space<vmem>>, vector<16xi32>,
        %add3A_159 = arith.constant 4000 : i32
        %add3A_160 = arith.addi %add3A_159, %mul3A_157 : i32
        %get3A_161 = arith.index_cast %add3A_160 : i32 to index
        %get3A_162 = tpu.vector_load %arg16[%get3A_161] {strides = array<i32>} : memref<12000xi32, #tpu.memory_space<vmem>>, vector<16xi32>,
        %add3A_163 = arith.constant 8000 : i32
        %add3A_164 = arith.addi %add3A_163, %mul3A_157 : i32
        %get3A_165 = arith.index_cast %add3A_164 : i32 to index
        %get3A_166 = tpu.vector_load %arg16[%get3A_165] {strides = array<i32>} : memref<12000xi32, #tpu.memory_space<vmem>>, vector<16xi32>,
        %bitcast3A = vector.bitcast %get3A_166 : vector<16xi32> to vector<16xf32>
        tpu.vector_store_idx %arg14[%get3A_162], %iota3A : memref<10000xi32, #tpu.memory_space<vmem>>[vector<16xi32>], vector<16xi32>,
        %gather3A_167 = tpu.vector_load_idx %arg14[%get3A_162] : memref<10000xi32, #tpu.memory_space<vmem>>[vector<16xi32>], vector<16xi32>,
        %eq3A = arith.cmpi eq, %gather3A_167, %iota3A : vector<16xi32>
        %gather3A_168 = tpu.vector_load_idx %arg6[%get3A_158] : memref<10000xi32, #tpu.memory_space<vmem>>[vector<16xi32>], vector<16xi32>,
        %bitcast3A_169 = vector.bitcast %gather3A_168 : vector<16xi32> to vector<32xbf16>
        %unpack3A = tpu.unpack_subelements %bitcast3A_169, 0 {pack_format = #tpu.pack_format<interleaved>} : vector<32xbf16> -> vector<16xf32>
        %unpack3A_170 = tpu.unpack_subelements %bitcast3A_169, 1 {pack_format = #tpu.pack_format<interleaved>} : vector<32xbf16> -> vector<16xf32>
        %mul3A_171 = arith.mulf %bitcast3A, %gather3A : vector<16xf32>
        %add3A_172 = arith.addf %unpack3A, %mul3A_171 : vector<16xf32>
        %mul3A_173 = arith.mulf %bitcast3A, %gather3A_36 : vector<16xf32>
        %add3A_174 = arith.addf %unpack3A_170, %mul3A_173 : vector<16xf32>
        %gather3A_175 = tpu.vector_load_idx %arg10[%get3A_162] : memref<10000xi32, #tpu.memory_space<vmem>>[vector<16xi32>], vector<16xi32>,
        %bitcast3A_176 = vector.bitcast %gather3A_175 : vector<16xi32> to vector<32xbf16>
        %unpack3A_177 = tpu.unpack_subelements %bitcast3A_176, 0 {pack_format = #tpu.pack_format<interleaved>} : vector<32xbf16> -> vector<16xf32>
        %unpack3A_178 = tpu.unpack_subelements %bitcast3A_176, 1 {pack_format = #tpu.pack_format<interleaved>} : vector<32xbf16> -> vector<16xf32>
        %max3A = arith.maximumf %unpack3A_177, %add3A_172 : vector<16xf32>
        %max3A_179 = arith.maximumf %unpack3A_178, %add3A_174 : vector<16xf32>
        %pack3A = tpu.pack_subelements %max3A, %max3A_179 {pack_format = #tpu.pack_format<interleaved>, positions = array<i32: 0, 1>} : vector<16xf32>, vector<16xf32> -> vector<32xbf16>
        %bitcast3A_180 = vector.bitcast %pack3A : vector<32xbf16> to vector<16xi32>
        tpu.vector_store_idx %arg10[%get3A_162], %bitcast3A_180 masked %eq3A : memref<10000xi32, #tpu.memory_space<vmem>>[vector<16xi32>], vector<16xi32>, vector<16xi1>
        %gather3A_181 = tpu.vector_load_idx %arg7[%get3A_158] : memref<10000xi32, #tpu.memory_space<vmem>>[vector<16xi32>], vector<16xi32>,
        %bitcast3A_182 = vector.bitcast %gather3A_181 : vector<16xi32> to vector<32xbf16>
        %unpack3A_183 = tpu.unpack_subelements %bitcast3A_182, 0 {pack_format = #tpu.pack_format<interleaved>} : vector<32xbf16> -> vector<16xf32>
        %unpack3A_184 = tpu.unpack_subelements %bitcast3A_182, 1 {pack_format = #tpu.pack_format<interleaved>} : vector<32xbf16> -> vector<16xf32>
        %mul3A_185 = arith.mulf %bitcast3A, %gather3A_42 : vector<16xf32>
        %add3A_186 = arith.addf %unpack3A_183, %mul3A_185 : vector<16xf32>
        %mul3A_187 = arith.mulf %bitcast3A, %gather3A_50 : vector<16xf32>
        %add3A_188 = arith.addf %unpack3A_184, %mul3A_187 : vector<16xf32>
        %gather3A_189 = tpu.vector_load_idx %arg11[%get3A_162] : memref<10000xi32, #tpu.memory_space<vmem>>[vector<16xi32>], vector<16xi32>,
        %bitcast3A_190 = vector.bitcast %gather3A_189 : vector<16xi32> to vector<32xbf16>
        %unpack3A_191 = tpu.unpack_subelements %bitcast3A_190, 0 {pack_format = #tpu.pack_format<interleaved>} : vector<32xbf16> -> vector<16xf32>
        %unpack3A_192 = tpu.unpack_subelements %bitcast3A_190, 1 {pack_format = #tpu.pack_format<interleaved>} : vector<32xbf16> -> vector<16xf32>
        %max3A_193 = arith.maximumf %unpack3A_191, %add3A_186 : vector<16xf32>
        %max3A_194 = arith.maximumf %unpack3A_192, %add3A_188 : vector<16xf32>
        %pack3A_195 = tpu.pack_subelements %max3A_193, %max3A_194 {pack_format = #tpu.pack_format<interleaved>, positions = array<i32: 0, 1>} : vector<16xf32>, vector<16xf32> -> vector<32xbf16>
        %bitcast3A_196 = vector.bitcast %pack3A_195 : vector<32xbf16> to vector<16xi32>
        tpu.vector_store_idx %arg11[%get3A_162], %bitcast3A_196 masked %eq3A : memref<10000xi32, #tpu.memory_space<vmem>>[vector<16xi32>], vector<16xi32>, vector<16xi1>
        %gather3A_197 = tpu.vector_load_idx %arg8[%get3A_158] : memref<10000xi32, #tpu.memory_space<vmem>>[vector<16xi32>], vector<16xi32>,
        %bitcast3A_198 = vector.bitcast %gather3A_197 : vector<16xi32> to vector<32xbf16>
        %unpack3A_199 = tpu.unpack_subelements %bitcast3A_198, 0 {pack_format = #tpu.pack_format<interleaved>} : vector<32xbf16> -> vector<16xf32>
        %unpack3A_200 = tpu.unpack_subelements %bitcast3A_198, 1 {pack_format = #tpu.pack_format<interleaved>} : vector<32xbf16> -> vector<16xf32>
        %mul3A_201 = arith.mulf %bitcast3A, %gather3A_56 : vector<16xf32>
        %add3A_202 = arith.addf %unpack3A_199, %mul3A_201 : vector<16xf32>
        %mul3A_203 = arith.mulf %bitcast3A, %gather3A_64 : vector<16xf32>
        %add3A_204 = arith.addf %unpack3A_200, %mul3A_203 : vector<16xf32>
        %gather3A_205 = tpu.vector_load_idx %arg12[%get3A_162] : memref<10000xi32, #tpu.memory_space<vmem>>[vector<16xi32>], vector<16xi32>,
        %bitcast3A_206 = vector.bitcast %gather3A_205 : vector<16xi32> to vector<32xbf16>
        %unpack3A_207 = tpu.unpack_subelements %bitcast3A_206, 0 {pack_format = #tpu.pack_format<interleaved>} : vector<32xbf16> -> vector<16xf32>
        %unpack3A_208 = tpu.unpack_subelements %bitcast3A_206, 1 {pack_format = #tpu.pack_format<interleaved>} : vector<32xbf16> -> vector<16xf32>
        %max3A_209 = arith.maximumf %unpack3A_207, %add3A_202 : vector<16xf32>
        %max3A_210 = arith.maximumf %unpack3A_208, %add3A_204 : vector<16xf32>
        %pack3A_211 = tpu.pack_subelements %max3A_209, %max3A_210 {pack_format = #tpu.pack_format<interleaved>, positions = array<i32: 0, 1>} : vector<16xf32>, vector<16xf32> -> vector<32xbf16>
        %bitcast3A_212 = vector.bitcast %pack3A_211 : vector<32xbf16> to vector<16xi32>
        tpu.vector_store_idx %arg12[%get3A_162], %bitcast3A_212 masked %eq3A : memref<10000xi32, #tpu.memory_space<vmem>>[vector<16xi32>], vector<16xi32>, vector<16xi1>
        %gather3A_213 = tpu.vector_load_idx %arg9[%get3A_158] : memref<10000xi32, #tpu.memory_space<vmem>>[vector<16xi32>], vector<16xi32>,
        %bitcast3A_214 = vector.bitcast %gather3A_213 : vector<16xi32> to vector<32xbf16>
        %unpack3A_215 = tpu.unpack_subelements %bitcast3A_214, 0 {pack_format = #tpu.pack_format<interleaved>} : vector<32xbf16> -> vector<16xf32>
        %unpack3A_216 = tpu.unpack_subelements %bitcast3A_214, 1 {pack_format = #tpu.pack_format<interleaved>} : vector<32xbf16> -> vector<16xf32>
        %mul3A_217 = arith.mulf %bitcast3A, %gather3A_70 : vector<16xf32>
        %add3A_218 = arith.addf %unpack3A_215, %mul3A_217 : vector<16xf32>
        %mul3A_219 = arith.mulf %bitcast3A, %gather3A_78 : vector<16xf32>
        %add3A_220 = arith.addf %unpack3A_216, %mul3A_219 : vector<16xf32>
        %gather3A_221 = tpu.vector_load_idx %arg13[%get3A_162] : memref<10000xi32, #tpu.memory_space<vmem>>[vector<16xi32>], vector<16xi32>,
        %bitcast3A_222 = vector.bitcast %gather3A_221 : vector<16xi32> to vector<32xbf16>
        %unpack3A_223 = tpu.unpack_subelements %bitcast3A_222, 0 {pack_format = #tpu.pack_format<interleaved>} : vector<32xbf16> -> vector<16xf32>
        %unpack3A_224 = tpu.unpack_subelements %bitcast3A_222, 1 {pack_format = #tpu.pack_format<interleaved>} : vector<32xbf16> -> vector<16xf32>
        %max3A_225 = arith.maximumf %unpack3A_223, %add3A_218 : vector<16xf32>
        %max3A_226 = arith.maximumf %unpack3A_224, %add3A_220 : vector<16xf32>
        %pack3A_227 = tpu.pack_subelements %max3A_225, %max3A_226 {pack_format = #tpu.pack_format<interleaved>, positions = array<i32: 0, 1>} : vector<16xf32>, vector<16xf32> -> vector<32xbf16>
        %bitcast3A_228 = vector.bitcast %pack3A_227 : vector<32xbf16> to vector<16xi32>
        tpu.vector_store_idx %arg13[%get3A_162], %bitcast3A_228 masked %eq3A : memref<10000xi32, #tpu.memory_space<vmem>>[vector<16xi32>], vector<16xi32>, vector<16xi1>
        %not3A = arith.constant dense<true> : vector<16xi1>
        %not3A_229 = arith.xori %eq3A, %not3A : vector<16xi1>
        %reduce_or3A = arith.constant 1.000000e+00 : f32
        %reduce_or3A_230 = arith.constant 0.000000e+00 : f32
        %reduce_or3A_231 = vector.broadcast %reduce_or3A : f32 to vector<16xf32>
        %reduce_or3A_232 = vector.broadcast %reduce_or3A_230 : f32 to vector<16xf32>
        %reduce_or3A_233 = arith.select %not3A_229, %reduce_or3A_231, %reduce_or3A_232 : vector<16xi1>, vector<16xf32>
        %reduce_or3A_234 = arith.constant true
        %reduce_or3A_235 = vector.broadcast %reduce_or3A_234 : i1 to vector<16xi1>
        %reduce_or3A_236 = tpu.scan <max>, %reduce_or3A_233 masked %reduce_or3A_235 : vector<16xf32>, vector<16xi1> -> vector<16xf32>
        %reduce_or3A_237 = vector.extract %reduce_or3A_236[15] : f32 from vector<16xf32>
        %reduce_or3A_238 = arith.constant 0.000000e+00 : f32
        %reduce_or3A_239 = arith.cmpf ogt, %reduce_or3A_237, %reduce_or3A_238 : f32
        %convert_element_type3A_240 = arith.extui %reduce_or3A_239 : i1 to i32
        %cond3A_241 = arith.constant 0 : i32
        %cond3A_242 = arith.cmpi ne, %convert_element_type3A_240, %cond3A_241 : i32
        scf.if %cond3A_242 {
          %while3A = scf.while (%while3A_343 = %not3A_229) : (vector<16xi1>) -> vector<16xi1> {
            %reduce_or3A_344 = arith.constant 1.000000e+00 : f32
            %reduce_or3A_345 = arith.constant 0.000000e+00 : f32
            %reduce_or3A_346 = vector.broadcast %reduce_or3A_344 : f32 to vector<16xf32>
            %reduce_or3A_347 = vector.broadcast %reduce_or3A_345 : f32 to vector<16xf32>
            %reduce_or3A_348 = arith.select %while3A_343, %reduce_or3A_346, %reduce_or3A_347 : vector<16xi1>, vector<16xf32>
            %reduce_or3A_349 = arith.constant true
            %reduce_or3A_350 = vector.broadcast %reduce_or3A_349 : i1 to vector<16xi1>
            %reduce_or3A_351 = tpu.scan <max>, %reduce_or3A_348 masked %reduce_or3A_350 : vector<16xf32>, vector<16xi1> -> vector<16xf32>
            %reduce_or3A_352 = vector.extract %reduce_or3A_351[15] : f32 from vector<16xf32>
            %reduce_or3A_353 = arith.constant 0.000000e+00 : f32
            %reduce_or3A_354 = arith.cmpf ogt, %reduce_or3A_352, %reduce_or3A_353 : f32
            scf.condition(%reduce_or3A_354) %while3A_343 : vector<16xi1>
          } do {
          ^bb0(%while3A_343: vector<16xi1>):
            tpu.vector_store_idx %arg14[%get3A_162], %iota3A masked %while3A_343 : memref<10000xi32, #tpu.memory_space<vmem>>[vector<16xi32>], vector<16xi32>, vector<16xi1>
            %gather3A_344 = tpu.vector_load_idx %arg14[%get3A_162] : memref<10000xi32, #tpu.memory_space<vmem>>[vector<16xi32>], vector<16xi32>,
            %eq3A_345 = arith.cmpi eq, %gather3A_344, %iota3A : vector<16xi32>
            %and3A = arith.andi %while3A_343, %eq3A_345 : vector<16xi1>
            %gather3A_346 = tpu.vector_load_idx %arg10[%get3A_162] : memref<10000xi32, #tpu.memory_space<vmem>>[vector<16xi32>], vector<16xi32>,
            %bitcast3A_347 = vector.bitcast %gather3A_346 : vector<16xi32> to vector<32xbf16>
            %unpack3A_348 = tpu.unpack_subelements %bitcast3A_347, 0 {pack_format = #tpu.pack_format<interleaved>} : vector<32xbf16> -> vector<16xf32>
            %unpack3A_349 = tpu.unpack_subelements %bitcast3A_347, 1 {pack_format = #tpu.pack_format<interleaved>} : vector<32xbf16> -> vector<16xf32>
            %max3A_350 = arith.maximumf %unpack3A_348, %add3A_172 : vector<16xf32>
            %max3A_351 = arith.maximumf %unpack3A_349, %add3A_174 : vector<16xf32>
            %pack3A_352 = tpu.pack_subelements %max3A_350, %max3A_351 {pack_format = #tpu.pack_format<interleaved>, positions = array<i32: 0, 1>} : vector<16xf32>, vector<16xf32> -> vector<32xbf16>
            %bitcast3A_353 = vector.bitcast %pack3A_352 : vector<32xbf16> to vector<16xi32>
            tpu.vector_store_idx %arg10[%get3A_162], %bitcast3A_353 masked %and3A : memref<10000xi32, #tpu.memory_space<vmem>>[vector<16xi32>], vector<16xi32>, vector<16xi1>
            %gather3A_354 = tpu.vector_load_idx %arg11[%get3A_162] : memref<10000xi32, #tpu.memory_space<vmem>>[vector<16xi32>], vector<16xi32>,
            %bitcast3A_355 = vector.bitcast %gather3A_354 : vector<16xi32> to vector<32xbf16>
            %unpack3A_356 = tpu.unpack_subelements %bitcast3A_355, 0 {pack_format = #tpu.pack_format<interleaved>} : vector<32xbf16> -> vector<16xf32>
            %unpack3A_357 = tpu.unpack_subelements %bitcast3A_355, 1 {pack_format = #tpu.pack_format<interleaved>} : vector<32xbf16> -> vector<16xf32>
            %max3A_358 = arith.maximumf %unpack3A_356, %add3A_186 : vector<16xf32>
            %max3A_359 = arith.maximumf %unpack3A_357, %add3A_188 : vector<16xf32>
            %pack3A_360 = tpu.pack_subelements %max3A_358, %max3A_359 {pack_format = #tpu.pack_format<interleaved>, positions = array<i32: 0, 1>} : vector<16xf32>, vector<16xf32> -> vector<32xbf16>
            %bitcast3A_361 = vector.bitcast %pack3A_360 : vector<32xbf16> to vector<16xi32>
            tpu.vector_store_idx %arg11[%get3A_162], %bitcast3A_361 masked %and3A : memref<10000xi32, #tpu.memory_space<vmem>>[vector<16xi32>], vector<16xi32>, vector<16xi1>
            %gather3A_362 = tpu.vector_load_idx %arg12[%get3A_162] : memref<10000xi32, #tpu.memory_space<vmem>>[vector<16xi32>], vector<16xi32>,
            %bitcast3A_363 = vector.bitcast %gather3A_362 : vector<16xi32> to vector<32xbf16>
            %unpack3A_364 = tpu.unpack_subelements %bitcast3A_363, 0 {pack_format = #tpu.pack_format<interleaved>} : vector<32xbf16> -> vector<16xf32>
            %unpack3A_365 = tpu.unpack_subelements %bitcast3A_363, 1 {pack_format = #tpu.pack_format<interleaved>} : vector<32xbf16> -> vector<16xf32>
            %max3A_366 = arith.maximumf %unpack3A_364, %add3A_202 : vector<16xf32>
            %max3A_367 = arith.maximumf %unpack3A_365, %add3A_204 : vector<16xf32>
            %pack3A_368 = tpu.pack_subelements %max3A_366, %max3A_367 {pack_format = #tpu.pack_format<interleaved>, positions = array<i32: 0, 1>} : vector<16xf32>, vector<16xf32> -> vector<32xbf16>
            %bitcast3A_369 = vector.bitcast %pack3A_368 : vector<32xbf16> to vector<16xi32>
            tpu.vector_store_idx %arg12[%get3A_162], %bitcast3A_369 masked %and3A : memref<10000xi32, #tpu.memory_space<vmem>>[vector<16xi32>], vector<16xi32>, vector<16xi1>
            %gather3A_370 = tpu.vector_load_idx %arg13[%get3A_162] : memref<10000xi32, #tpu.memory_space<vmem>>[vector<16xi32>], vector<16xi32>,
            %bitcast3A_371 = vector.bitcast %gather3A_370 : vector<16xi32> to vector<32xbf16>
            %unpack3A_372 = tpu.unpack_subelements %bitcast3A_371, 0 {pack_format = #tpu.pack_format<interleaved>} : vector<32xbf16> -> vector<16xf32>
            %unpack3A_373 = tpu.unpack_subelements %bitcast3A_371, 1 {pack_format = #tpu.pack_format<interleaved>} : vector<32xbf16> -> vector<16xf32>
            %max3A_374 = arith.maximumf %unpack3A_372, %add3A_218 : vector<16xf32>
            %max3A_375 = arith.maximumf %unpack3A_373, %add3A_220 : vector<16xf32>
            %pack3A_376 = tpu.pack_subelements %max3A_374, %max3A_375 {pack_format = #tpu.pack_format<interleaved>, positions = array<i32: 0, 1>} : vector<16xf32>, vector<16xf32> -> vector<32xbf16>
            %bitcast3A_377 = vector.bitcast %pack3A_376 : vector<32xbf16> to vector<16xi32>
            tpu.vector_store_idx %arg13[%get3A_162], %bitcast3A_377 masked %and3A : memref<10000xi32, #tpu.memory_space<vmem>>[vector<16xi32>], vector<16xi32>, vector<16xi1>
            %not3A_378 = arith.constant dense<true> : vector<16xi1>
            %not3A_379 = arith.xori %and3A, %not3A_378 : vector<16xi1>
            %and3A_380 = arith.andi %while3A_343, %not3A_379 : vector<16xi1>
            scf.yield %and3A_380 : vector<16xi1>
          }
        } else {
        }
        %mul3A_243 = arith.constant 2 : i32
        %mul3A_244 = arith.muli %scan3A_150, %mul3A_243 : i32
        %add3A_245 = arith.constant 1 : i32
        %add3A_246 = arith.addi %mul3A_244, %add3A_245 : i32
        %mul3A_247 = arith.constant 16 : i32
        %mul3A_248 = arith.muli %add3A_246, %mul3A_247 : i32
        %get3A_249 = arith.index_cast %mul3A_248 : i32 to index
        %get3A_250 = tpu.vector_load %arg16[%get3A_249] {strides = array<i32>} : memref<12000xi32, #tpu.memory_space<vmem>>, vector<16xi32>,
        %add3A_251 = arith.constant 4000 : i32
        %add3A_252 = arith.addi %add3A_251, %mul3A_248 : i32
        %get3A_253 = arith.index_cast %add3A_252 : i32 to index
        %get3A_254 = tpu.vector_load %arg16[%get3A_253] {strides = array<i32>} : memref<12000xi32, #tpu.memory_space<vmem>>, vector<16xi32>,
        %add3A_255 = arith.constant 8000 : i32
        %add3A_256 = arith.addi %add3A_255, %mul3A_248 : i32
        %get3A_257 = arith.index_cast %add3A_256 : i32 to index
        %get3A_258 = tpu.vector_load %arg16[%get3A_257] {strides = array<i32>} : memref<12000xi32, #tpu.memory_space<vmem>>, vector<16xi32>,
        %bitcast3A_259 = vector.bitcast %get3A_258 : vector<16xi32> to vector<16xf32>
        tpu.vector_store_idx %arg15[%get3A_254], %iota3A : memref<10000xi32, #tpu.memory_space<vmem>>[vector<16xi32>], vector<16xi32>,
        %gather3A_260 = tpu.vector_load_idx %arg15[%get3A_254] : memref<10000xi32, #tpu.memory_space<vmem>>[vector<16xi32>], vector<16xi32>,
        %eq3A_261 = arith.cmpi eq, %gather3A_260, %iota3A : vector<16xi32>
        %gather3A_262 = tpu.vector_load_idx %arg6[%get3A_250] : memref<10000xi32, #tpu.memory_space<vmem>>[vector<16xi32>], vector<16xi32>,
        %bitcast3A_263 = vector.bitcast %gather3A_262 : vector<16xi32> to vector<32xbf16>
        %unpack3A_264 = tpu.unpack_subelements %bitcast3A_263, 0 {pack_format = #tpu.pack_format<interleaved>} : vector<32xbf16> -> vector<16xf32>
        %unpack3A_265 = tpu.unpack_subelements %bitcast3A_263, 1 {pack_format = #tpu.pack_format<interleaved>} : vector<32xbf16> -> vector<16xf32>
        %mul3A_266 = arith.mulf %bitcast3A_259, %gather3A : vector<16xf32>
        %add3A_267 = arith.addf %unpack3A_264, %mul3A_266 : vector<16xf32>
        %mul3A_268 = arith.mulf %bitcast3A_259, %gather3A_36 : vector<16xf32>
        %add3A_269 = arith.addf %unpack3A_265, %mul3A_268 : vector<16xf32>
        %gather3A_270 = tpu.vector_load_idx %arg10[%get3A_254] : memref<10000xi32, #tpu.memory_space<vmem>>[vector<16xi32>], vector<16xi32>,
        %bitcast3A_271 = vector.bitcast %gather3A_270 : vector<16xi32> to vector<32xbf16>
        %unpack3A_272 = tpu.unpack_subelements %bitcast3A_271, 0 {pack_format = #tpu.pack_format<interleaved>} : vector<32xbf16> -> vector<16xf32>
        %unpack3A_273 = tpu.unpack_subelements %bitcast3A_271, 1 {pack_format = #tpu.pack_format<interleaved>} : vector<32xbf16> -> vector<16xf32>
        %max3A_274 = arith.maximumf %unpack3A_272, %add3A_267 : vector<16xf32>
        %max3A_275 = arith.maximumf %unpack3A_273, %add3A_269 : vector<16xf32>
        %pack3A_276 = tpu.pack_subelements %max3A_274, %max3A_275 {pack_format = #tpu.pack_format<interleaved>, positions = array<i32: 0, 1>} : vector<16xf32>, vector<16xf32> -> vector<32xbf16>
        %bitcast3A_277 = vector.bitcast %pack3A_276 : vector<32xbf16> to vector<16xi32>
        tpu.vector_store_idx %arg10[%get3A_254], %bitcast3A_277 masked %eq3A_261 : memref<10000xi32, #tpu.memory_space<vmem>>[vector<16xi32>], vector<16xi32>, vector<16xi1>
        %gather3A_278 = tpu.vector_load_idx %arg7[%get3A_250] : memref<10000xi32, #tpu.memory_space<vmem>>[vector<16xi32>], vector<16xi32>,
        %bitcast3A_279 = vector.bitcast %gather3A_278 : vector<16xi32> to vector<32xbf16>
        %unpack3A_280 = tpu.unpack_subelements %bitcast3A_279, 0 {pack_format = #tpu.pack_format<interleaved>} : vector<32xbf16> -> vector<16xf32>
        %unpack3A_281 = tpu.unpack_subelements %bitcast3A_279, 1 {pack_format = #tpu.pack_format<interleaved>} : vector<32xbf16> -> vector<16xf32>
        %mul3A_282 = arith.mulf %bitcast3A_259, %gather3A_42 : vector<16xf32>
        %add3A_283 = arith.addf %unpack3A_280, %mul3A_282 : vector<16xf32>
        %mul3A_284 = arith.mulf %bitcast3A_259, %gather3A_50 : vector<16xf32>
        %add3A_285 = arith.addf %unpack3A_281, %mul3A_284 : vector<16xf32>
        %gather3A_286 = tpu.vector_load_idx %arg11[%get3A_254] : memref<10000xi32, #tpu.memory_space<vmem>>[vector<16xi32>], vector<16xi32>,
        %bitcast3A_287 = vector.bitcast %gather3A_286 : vector<16xi32> to vector<32xbf16>
        %unpack3A_288 = tpu.unpack_subelements %bitcast3A_287, 0 {pack_format = #tpu.pack_format<interleaved>} : vector<32xbf16> -> vector<16xf32>
        %unpack3A_289 = tpu.unpack_subelements %bitcast3A_287, 1 {pack_format = #tpu.pack_format<interleaved>} : vector<32xbf16> -> vector<16xf32>
        %max3A_290 = arith.maximumf %unpack3A_288, %add3A_283 : vector<16xf32>
        %max3A_291 = arith.maximumf %unpack3A_289, %add3A_285 : vector<16xf32>
        %pack3A_292 = tpu.pack_subelements %max3A_290, %max3A_291 {pack_format = #tpu.pack_format<interleaved>, positions = array<i32: 0, 1>} : vector<16xf32>, vector<16xf32> -> vector<32xbf16>
        %bitcast3A_293 = vector.bitcast %pack3A_292 : vector<32xbf16> to vector<16xi32>
        tpu.vector_store_idx %arg11[%get3A_254], %bitcast3A_293 masked %eq3A_261 : memref<10000xi32, #tpu.memory_space<vmem>>[vector<16xi32>], vector<16xi32>, vector<16xi1>
        %gather3A_294 = tpu.vector_load_idx %arg8[%get3A_250] : memref<10000xi32, #tpu.memory_space<vmem>>[vector<16xi32>], vector<16xi32>,
        %bitcast3A_295 = vector.bitcast %gather3A_294 : vector<16xi32> to vector<32xbf16>
        %unpack3A_296 = tpu.unpack_subelements %bitcast3A_295, 0 {pack_format = #tpu.pack_format<interleaved>} : vector<32xbf16> -> vector<16xf32>
        %unpack3A_297 = tpu.unpack_subelements %bitcast3A_295, 1 {pack_format = #tpu.pack_format<interleaved>} : vector<32xbf16> -> vector<16xf32>
        %mul3A_298 = arith.mulf %bitcast3A_259, %gather3A_56 : vector<16xf32>
        %add3A_299 = arith.addf %unpack3A_296, %mul3A_298 : vector<16xf32>
        %mul3A_300 = arith.mulf %bitcast3A_259, %gather3A_64 : vector<16xf32>
        %add3A_301 = arith.addf %unpack3A_297, %mul3A_300 : vector<16xf32>
        %gather3A_302 = tpu.vector_load_idx %arg12[%get3A_254] : memref<10000xi32, #tpu.memory_space<vmem>>[vector<16xi32>], vector<16xi32>,
        %bitcast3A_303 = vector.bitcast %gather3A_302 : vector<16xi32> to vector<32xbf16>
        %unpack3A_304 = tpu.unpack_subelements %bitcast3A_303, 0 {pack_format = #tpu.pack_format<interleaved>} : vector<32xbf16> -> vector<16xf32>
        %unpack3A_305 = tpu.unpack_subelements %bitcast3A_303, 1 {pack_format = #tpu.pack_format<interleaved>} : vector<32xbf16> -> vector<16xf32>
        %max3A_306 = arith.maximumf %unpack3A_304, %add3A_299 : vector<16xf32>
        %max3A_307 = arith.maximumf %unpack3A_305, %add3A_301 : vector<16xf32>
        %pack3A_308 = tpu.pack_subelements %max3A_306, %max3A_307 {pack_format = #tpu.pack_format<interleaved>, positions = array<i32: 0, 1>} : vector<16xf32>, vector<16xf32> -> vector<32xbf16>
        %bitcast3A_309 = vector.bitcast %pack3A_308 : vector<32xbf16> to vector<16xi32>
        tpu.vector_store_idx %arg12[%get3A_254], %bitcast3A_309 masked %eq3A_261 : memref<10000xi32, #tpu.memory_space<vmem>>[vector<16xi32>], vector<16xi32>, vector<16xi1>
        %gather3A_310 = tpu.vector_load_idx %arg9[%get3A_250] : memref<10000xi32, #tpu.memory_space<vmem>>[vector<16xi32>], vector<16xi32>,
        %bitcast3A_311 = vector.bitcast %gather3A_310 : vector<16xi32> to vector<32xbf16>
        %unpack3A_312 = tpu.unpack_subelements %bitcast3A_311, 0 {pack_format = #tpu.pack_format<interleaved>} : vector<32xbf16> -> vector<16xf32>
        %unpack3A_313 = tpu.unpack_subelements %bitcast3A_311, 1 {pack_format = #tpu.pack_format<interleaved>} : vector<32xbf16> -> vector<16xf32>
        %mul3A_314 = arith.mulf %bitcast3A_259, %gather3A_70 : vector<16xf32>
        %add3A_315 = arith.addf %unpack3A_312, %mul3A_314 : vector<16xf32>
        %mul3A_316 = arith.mulf %bitcast3A_259, %gather3A_78 : vector<16xf32>
        %add3A_317 = arith.addf %unpack3A_313, %mul3A_316 : vector<16xf32>
        %gather3A_318 = tpu.vector_load_idx %arg13[%get3A_254] : memref<10000xi32, #tpu.memory_space<vmem>>[vector<16xi32>], vector<16xi32>,
        %bitcast3A_319 = vector.bitcast %gather3A_318 : vector<16xi32> to vector<32xbf16>
        %unpack3A_320 = tpu.unpack_subelements %bitcast3A_319, 0 {pack_format = #tpu.pack_format<interleaved>} : vector<32xbf16> -> vector<16xf32>
        %unpack3A_321 = tpu.unpack_subelements %bitcast3A_319, 1 {pack_format = #tpu.pack_format<interleaved>} : vector<32xbf16> -> vector<16xf32>
        %max3A_322 = arith.maximumf %unpack3A_320, %add3A_315 : vector<16xf32>
        %max3A_323 = arith.maximumf %unpack3A_321, %add3A_317 : vector<16xf32>
        %pack3A_324 = tpu.pack_subelements %max3A_322, %max3A_323 {pack_format = #tpu.pack_format<interleaved>, positions = array<i32: 0, 1>} : vector<16xf32>, vector<16xf32> -> vector<32xbf16>
        %bitcast3A_325 = vector.bitcast %pack3A_324 : vector<32xbf16> to vector<16xi32>
        tpu.vector_store_idx %arg13[%get3A_254], %bitcast3A_325 masked %eq3A_261 : memref<10000xi32, #tpu.memory_space<vmem>>[vector<16xi32>], vector<16xi32>, vector<16xi1>
        %not3A_326 = arith.constant dense<true> : vector<16xi1>
        %not3A_327 = arith.xori %eq3A_261, %not3A_326 : vector<16xi1>
        %reduce_or3A_328 = arith.constant 1.000000e+00 : f32
        %reduce_or3A_329 = arith.constant 0.000000e+00 : f32
        %reduce_or3A_330 = vector.broadcast %reduce_or3A_328 : f32 to vector<16xf32>
        %reduce_or3A_331 = vector.broadcast %reduce_or3A_329 : f32 to vector<16xf32>
        %reduce_or3A_332 = arith.select %not3A_327, %reduce_or3A_330, %reduce_or3A_331 : vector<16xi1>, vector<16xf32>
        %reduce_or3A_333 = arith.constant true
        %reduce_or3A_334 = vector.broadcast %reduce_or3A_333 : i1 to vector<16xi1>
        %reduce_or3A_335 = tpu.scan <max>, %reduce_or3A_332 masked %reduce_or3A_334 : vector<16xf32>, vector<16xi1> -> vector<16xf32>
        %reduce_or3A_336 = vector.extract %reduce_or3A_335[15] : f32 from vector<16xf32>
        %reduce_or3A_337 = arith.constant 0.000000e+00 : f32
        %reduce_or3A_338 = arith.cmpf ogt, %reduce_or3A_336, %reduce_or3A_337 : f32
        %convert_element_type3A_339 = arith.extui %reduce_or3A_338 : i1 to i32
        %cond3A_340 = arith.constant 0 : i32
        %cond3A_341 = arith.cmpi ne, %convert_element_type3A_339, %cond3A_340 : i32
        scf.if %cond3A_341 {
          %while3A = scf.while (%while3A_343 = %not3A_327) : (vector<16xi1>) -> vector<16xi1> {
            %reduce_or3A_344 = arith.constant 1.000000e+00 : f32
            %reduce_or3A_345 = arith.constant 0.000000e+00 : f32
            %reduce_or3A_346 = vector.broadcast %reduce_or3A_344 : f32 to vector<16xf32>
            %reduce_or3A_347 = vector.broadcast %reduce_or3A_345 : f32 to vector<16xf32>
            %reduce_or3A_348 = arith.select %while3A_343, %reduce_or3A_346, %reduce_or3A_347 : vector<16xi1>, vector<16xf32>
            %reduce_or3A_349 = arith.constant true
            %reduce_or3A_350 = vector.broadcast %reduce_or3A_349 : i1 to vector<16xi1>
            %reduce_or3A_351 = tpu.scan <max>, %reduce_or3A_348 masked %reduce_or3A_350 : vector<16xf32>, vector<16xi1> -> vector<16xf32>
            %reduce_or3A_352 = vector.extract %reduce_or3A_351[15] : f32 from vector<16xf32>
            %reduce_or3A_353 = arith.constant 0.000000e+00 : f32
            %reduce_or3A_354 = arith.cmpf ogt, %reduce_or3A_352, %reduce_or3A_353 : f32
            scf.condition(%reduce_or3A_354) %while3A_343 : vector<16xi1>
          } do {
          ^bb0(%while3A_343: vector<16xi1>):
            tpu.vector_store_idx %arg15[%get3A_254], %iota3A masked %while3A_343 : memref<10000xi32, #tpu.memory_space<vmem>>[vector<16xi32>], vector<16xi32>, vector<16xi1>
            %gather3A_344 = tpu.vector_load_idx %arg15[%get3A_254] : memref<10000xi32, #tpu.memory_space<vmem>>[vector<16xi32>], vector<16xi32>,
            %eq3A_345 = arith.cmpi eq, %gather3A_344, %iota3A : vector<16xi32>
            %and3A = arith.andi %while3A_343, %eq3A_345 : vector<16xi1>
            %gather3A_346 = tpu.vector_load_idx %arg10[%get3A_254] : memref<10000xi32, #tpu.memory_space<vmem>>[vector<16xi32>], vector<16xi32>,
            %bitcast3A_347 = vector.bitcast %gather3A_346 : vector<16xi32> to vector<32xbf16>
            %unpack3A_348 = tpu.unpack_subelements %bitcast3A_347, 0 {pack_format = #tpu.pack_format<interleaved>} : vector<32xbf16> -> vector<16xf32>
            %unpack3A_349 = tpu.unpack_subelements %bitcast3A_347, 1 {pack_format = #tpu.pack_format<interleaved>} : vector<32xbf16> -> vector<16xf32>
            %max3A_350 = arith.maximumf %unpack3A_348, %add3A_267 : vector<16xf32>
            %max3A_351 = arith.maximumf %unpack3A_349, %add3A_269 : vector<16xf32>
            %pack3A_352 = tpu.pack_subelements %max3A_350, %max3A_351 {pack_format = #tpu.pack_format<interleaved>, positions = array<i32: 0, 1>} : vector<16xf32>, vector<16xf32> -> vector<32xbf16>
            %bitcast3A_353 = vector.bitcast %pack3A_352 : vector<32xbf16> to vector<16xi32>
            tpu.vector_store_idx %arg10[%get3A_254], %bitcast3A_353 masked %and3A : memref<10000xi32, #tpu.memory_space<vmem>>[vector<16xi32>], vector<16xi32>, vector<16xi1>
            %gather3A_354 = tpu.vector_load_idx %arg11[%get3A_254] : memref<10000xi32, #tpu.memory_space<vmem>>[vector<16xi32>], vector<16xi32>,
            %bitcast3A_355 = vector.bitcast %gather3A_354 : vector<16xi32> to vector<32xbf16>
            %unpack3A_356 = tpu.unpack_subelements %bitcast3A_355, 0 {pack_format = #tpu.pack_format<interleaved>} : vector<32xbf16> -> vector<16xf32>
            %unpack3A_357 = tpu.unpack_subelements %bitcast3A_355, 1 {pack_format = #tpu.pack_format<interleaved>} : vector<32xbf16> -> vector<16xf32>
            %max3A_358 = arith.maximumf %unpack3A_356, %add3A_283 : vector<16xf32>
            %max3A_359 = arith.maximumf %unpack3A_357, %add3A_285 : vector<16xf32>
            %pack3A_360 = tpu.pack_subelements %max3A_358, %max3A_359 {pack_format = #tpu.pack_format<interleaved>, positions = array<i32: 0, 1>} : vector<16xf32>, vector<16xf32> -> vector<32xbf16>
            %bitcast3A_361 = vector.bitcast %pack3A_360 : vector<32xbf16> to vector<16xi32>
            tpu.vector_store_idx %arg11[%get3A_254], %bitcast3A_361 masked %and3A : memref<10000xi32, #tpu.memory_space<vmem>>[vector<16xi32>], vector<16xi32>, vector<16xi1>
            %gather3A_362 = tpu.vector_load_idx %arg12[%get3A_254] : memref<10000xi32, #tpu.memory_space<vmem>>[vector<16xi32>], vector<16xi32>,
            %bitcast3A_363 = vector.bitcast %gather3A_362 : vector<16xi32> to vector<32xbf16>
            %unpack3A_364 = tpu.unpack_subelements %bitcast3A_363, 0 {pack_format = #tpu.pack_format<interleaved>} : vector<32xbf16> -> vector<16xf32>
            %unpack3A_365 = tpu.unpack_subelements %bitcast3A_363, 1 {pack_format = #tpu.pack_format<interleaved>} : vector<32xbf16> -> vector<16xf32>
            %max3A_366 = arith.maximumf %unpack3A_364, %add3A_299 : vector<16xf32>
            %max3A_367 = arith.maximumf %unpack3A_365, %add3A_301 : vector<16xf32>
            %pack3A_368 = tpu.pack_subelements %max3A_366, %max3A_367 {pack_format = #tpu.pack_format<interleaved>, positions = array<i32: 0, 1>} : vector<16xf32>, vector<16xf32> -> vector<32xbf16>
            %bitcast3A_369 = vector.bitcast %pack3A_368 : vector<32xbf16> to vector<16xi32>
            tpu.vector_store_idx %arg12[%get3A_254], %bitcast3A_369 masked %and3A : memref<10000xi32, #tpu.memory_space<vmem>>[vector<16xi32>], vector<16xi32>, vector<16xi1>
            %gather3A_370 = tpu.vector_load_idx %arg13[%get3A_254] : memref<10000xi32, #tpu.memory_space<vmem>>[vector<16xi32>], vector<16xi32>,
            %bitcast3A_371 = vector.bitcast %gather3A_370 : vector<16xi32> to vector<32xbf16>
            %unpack3A_372 = tpu.unpack_subelements %bitcast3A_371, 0 {pack_format = #tpu.pack_format<interleaved>} : vector<32xbf16> -> vector<16xf32>
            %unpack3A_373 = tpu.unpack_subelements %bitcast3A_371, 1 {pack_format = #tpu.pack_format<interleaved>} : vector<32xbf16> -> vector<16xf32>
            %max3A_374 = arith.maximumf %unpack3A_372, %add3A_315 : vector<16xf32>
            %max3A_375 = arith.maximumf %unpack3A_373, %add3A_317 : vector<16xf32>
            %pack3A_376 = tpu.pack_subelements %max3A_374, %max3A_375 {pack_format = #tpu.pack_format<interleaved>, positions = array<i32: 0, 1>} : vector<16xf32>, vector<16xf32> -> vector<32xbf16>
            %bitcast3A_377 = vector.bitcast %pack3A_376 : vector<32xbf16> to vector<16xi32>
            tpu.vector_store_idx %arg13[%get3A_254], %bitcast3A_377 masked %and3A : memref<10000xi32, #tpu.memory_space<vmem>>[vector<16xi32>], vector<16xi32>, vector<16xi1>
            %not3A_378 = arith.constant dense<true> : vector<16xi1>
            %not3A_379 = arith.xori %and3A, %not3A_378 : vector<16xi1>
            %and3A_380 = arith.andi %while3A_343, %not3A_379 : vector<16xi1>
            scf.yield %and3A_380 : vector<16xi1>
          }
        } else {
        }
        %scan3A_342 = arith.constant 0 : i32
        scf.yield %scan3A_342 : i32
      }
      %scan3A_122 = arith.constant 125 : i32
      %add3A_123 = arith.constant 2 : i32
      %add3A_124 = arith.addi %mul3A_112, %add3A_123 : i32
      %add3A_125 = arith.constant 0 : i32
      %add3A_126 = arith.addi %add3A_124, %add3A_125 : i32
      %lt3A = arith.constant 80 : i32
      %lt3A_127 = arith.cmpi slt, %add3A_126, %lt3A : i32
      %convert_element_type3A = arith.extui %lt3A_127 : i1 to i32
      %cond3A = arith.constant 0 : i32
      %cond3A_128 = arith.cmpi ne, %convert_element_type3A, %cond3A : i32
      scf.if %cond3A_128 {
        %add3A_150 = arith.constant 2 : i32
        %add3A_151 = arith.addi %mul3A_112, %add3A_150 : i32
        %add3A_152 = arith.constant 0 : i32
        %add3A_153 = arith.addi %add3A_151, %add3A_152 : i32
        %mul3A_154 = arith.constant 12000 : i32
        %mul3A_155 = arith.muli %add3A_153, %mul3A_154 : i32
        %dma_start3A_156 = tpu.memref_slice %arg3[%mul3A_155] : memref<960000xi32, #tpu.memory_space<hbm>> -> memref<12000xi32, #tpu.memory_space<hbm>>
        %dma_start3A_157 = tpu.memref_slice %arg3[%mul3A_155] : memref<960000xi32, #tpu.memory_space<hbm>> -> memref<12000xi32, #tpu.memory_space<hbm>>
        tpu.enqueue_dma source(%dma_start3A_157 : memref<12000xi32, #tpu.memory_space<hbm>>) target(%arg16 : memref<12000xi32, #tpu.memory_space<vmem>>) target_semaphore(%arg19 : memref<!tpu.dma_semaphore, #tpu.memory_space<semaphore_mem>>)
      } else {
      }
      %dma_wait3A_129 = arith.constant 0 : i32
      %dma_wait3A_130 = tpu.memref_slice %arg3[%dma_wait3A_129] : memref<960000xi32, #tpu.memory_space<hbm>> -> memref<12000xi32, #tpu.memory_space<hbm>>
      %dma_wait3A_131 = arith.constant 0 : i32
      %dma_wait3A_132 = tpu.memref_slice %arg3[%dma_wait3A_131] : memref<960000xi32, #tpu.memory_space<hbm>> -> memref<12000xi32, #tpu.memory_space<hbm>>
      tpu.wait_dma2 semaphore(%arg20 : memref<!tpu.dma_semaphore, #tpu.memory_space<semaphore_mem>>) src(%dma_wait3A_132 : memref<12000xi32, #tpu.memory_space<hbm>>) dst(%arg17 : memref<12000xi32, #tpu.memory_space<vmem>>)
      %scan3A_133 = arith.constant 0 : i32
      %scan3A_134 = arith.constant 0 : i32
      %scan3A_135 = arith.constant 125 : i32
      %scan3A_136 = arith.addi %scan3A_134, %scan3A_135 : i32
      %scan3A_137 = arith.constant 1 : i32
      %scan3A_138 = scf.for %scan3A_150 = %scan3A_134 to %scan3A_136 step %scan3A_137 iter_args(%scan3A_151 = %scan3A_133) -> (i32)  : i32 {
        %mul3A_152 = arith.constant 2 : i32
        %mul3A_153 = arith.muli %scan3A_150, %mul3A_152 : i32
        %add3A_154 = arith.constant 0 : i32
        %add3A_155 = arith.addi %mul3A_153, %add3A_154 : i32
        %mul3A_156 = arith.constant 16 : i32
        %mul3A_157 = arith.muli %add3A_155, %mul3A_156 : i32
        %get3A = arith.index_cast %mul3A_157 : i32 to index
        %get3A_158 = tpu.vector_load %arg17[%get3A] {strides = array<i32>} : memref<12000xi32, #tpu.memory_space<vmem>>, vector<16xi32>,
        %add3A_159 = arith.constant 4000 : i32
        %add3A_160 = arith.addi %add3A_159, %mul3A_157 : i32
        %get3A_161 = arith.index_cast %add3A_160 : i32 to index
        %get3A_162 = tpu.vector_load %arg17[%get3A_161] {strides = array<i32>} : memref<12000xi32, #tpu.memory_space<vmem>>, vector<16xi32>,
        %add3A_163 = arith.constant 8000 : i32
        %add3A_164 = arith.addi %add3A_163, %mul3A_157 : i32
        %get3A_165 = arith.index_cast %add3A_164 : i32 to index
        %get3A_166 = tpu.vector_load %arg17[%get3A_165] {strides = array<i32>} : memref<12000xi32, #tpu.memory_space<vmem>>, vector<16xi32>,
        %bitcast3A = vector.bitcast %get3A_166 : vector<16xi32> to vector<16xf32>
        tpu.vector_store_idx %arg14[%get3A_162], %iota3A : memref<10000xi32, #tpu.memory_space<vmem>>[vector<16xi32>], vector<16xi32>,
        %gather3A_167 = tpu.vector_load_idx %arg14[%get3A_162] : memref<10000xi32, #tpu.memory_space<vmem>>[vector<16xi32>], vector<16xi32>,
        %eq3A = arith.cmpi eq, %gather3A_167, %iota3A : vector<16xi32>
        %gather3A_168 = tpu.vector_load_idx %arg6[%get3A_158] : memref<10000xi32, #tpu.memory_space<vmem>>[vector<16xi32>], vector<16xi32>,
        %bitcast3A_169 = vector.bitcast %gather3A_168 : vector<16xi32> to vector<32xbf16>
        %unpack3A = tpu.unpack_subelements %bitcast3A_169, 0 {pack_format = #tpu.pack_format<interleaved>} : vector<32xbf16> -> vector<16xf32>
        %unpack3A_170 = tpu.unpack_subelements %bitcast3A_169, 1 {pack_format = #tpu.pack_format<interleaved>} : vector<32xbf16> -> vector<16xf32>
        %mul3A_171 = arith.mulf %bitcast3A, %gather3A : vector<16xf32>
        %add3A_172 = arith.addf %unpack3A, %mul3A_171 : vector<16xf32>
        %mul3A_173 = arith.mulf %bitcast3A, %gather3A_36 : vector<16xf32>
        %add3A_174 = arith.addf %unpack3A_170, %mul3A_173 : vector<16xf32>
        %gather3A_175 = tpu.vector_load_idx %arg10[%get3A_162] : memref<10000xi32, #tpu.memory_space<vmem>>[vector<16xi32>], vector<16xi32>,
        %bitcast3A_176 = vector.bitcast %gather3A_175 : vector<16xi32> to vector<32xbf16>
        %unpack3A_177 = tpu.unpack_subelements %bitcast3A_176, 0 {pack_format = #tpu.pack_format<interleaved>} : vector<32xbf16> -> vector<16xf32>
        %unpack3A_178 = tpu.unpack_subelements %bitcast3A_176, 1 {pack_format = #tpu.pack_format<interleaved>} : vector<32xbf16> -> vector<16xf32>
        %max3A = arith.maximumf %unpack3A_177, %add3A_172 : vector<16xf32>
        %max3A_179 = arith.maximumf %unpack3A_178, %add3A_174 : vector<16xf32>
        %pack3A = tpu.pack_subelements %max3A, %max3A_179 {pack_format = #tpu.pack_format<interleaved>, positions = array<i32: 0, 1>} : vector<16xf32>, vector<16xf32> -> vector<32xbf16>
        %bitcast3A_180 = vector.bitcast %pack3A : vector<32xbf16> to vector<16xi32>
        tpu.vector_store_idx %arg10[%get3A_162], %bitcast3A_180 masked %eq3A : memref<10000xi32, #tpu.memory_space<vmem>>[vector<16xi32>], vector<16xi32>, vector<16xi1>
        %gather3A_181 = tpu.vector_load_idx %arg7[%get3A_158] : memref<10000xi32, #tpu.memory_space<vmem>>[vector<16xi32>], vector<16xi32>,
        %bitcast3A_182 = vector.bitcast %gather3A_181 : vector<16xi32> to vector<32xbf16>
        %unpack3A_183 = tpu.unpack_subelements %bitcast3A_182, 0 {pack_format = #tpu.pack_format<interleaved>} : vector<32xbf16> -> vector<16xf32>
        %unpack3A_184 = tpu.unpack_subelements %bitcast3A_182, 1 {pack_format = #tpu.pack_format<interleaved>} : vector<32xbf16> -> vector<16xf32>
        %mul3A_185 = arith.mulf %bitcast3A, %gather3A_42 : vector<16xf32>
        %add3A_186 = arith.addf %unpack3A_183, %mul3A_185 : vector<16xf32>
        %mul3A_187 = arith.mulf %bitcast3A, %gather3A_50 : vector<16xf32>
        %add3A_188 = arith.addf %unpack3A_184, %mul3A_187 : vector<16xf32>
        %gather3A_189 = tpu.vector_load_idx %arg11[%get3A_162] : memref<10000xi32, #tpu.memory_space<vmem>>[vector<16xi32>], vector<16xi32>,
        %bitcast3A_190 = vector.bitcast %gather3A_189 : vector<16xi32> to vector<32xbf16>
        %unpack3A_191 = tpu.unpack_subelements %bitcast3A_190, 0 {pack_format = #tpu.pack_format<interleaved>} : vector<32xbf16> -> vector<16xf32>
        %unpack3A_192 = tpu.unpack_subelements %bitcast3A_190, 1 {pack_format = #tpu.pack_format<interleaved>} : vector<32xbf16> -> vector<16xf32>
        %max3A_193 = arith.maximumf %unpack3A_191, %add3A_186 : vector<16xf32>
        %max3A_194 = arith.maximumf %unpack3A_192, %add3A_188 : vector<16xf32>
        %pack3A_195 = tpu.pack_subelements %max3A_193, %max3A_194 {pack_format = #tpu.pack_format<interleaved>, positions = array<i32: 0, 1>} : vector<16xf32>, vector<16xf32> -> vector<32xbf16>
        %bitcast3A_196 = vector.bitcast %pack3A_195 : vector<32xbf16> to vector<16xi32>
        tpu.vector_store_idx %arg11[%get3A_162], %bitcast3A_196 masked %eq3A : memref<10000xi32, #tpu.memory_space<vmem>>[vector<16xi32>], vector<16xi32>, vector<16xi1>
        %gather3A_197 = tpu.vector_load_idx %arg8[%get3A_158] : memref<10000xi32, #tpu.memory_space<vmem>>[vector<16xi32>], vector<16xi32>,
        %bitcast3A_198 = vector.bitcast %gather3A_197 : vector<16xi32> to vector<32xbf16>
        %unpack3A_199 = tpu.unpack_subelements %bitcast3A_198, 0 {pack_format = #tpu.pack_format<interleaved>} : vector<32xbf16> -> vector<16xf32>
        %unpack3A_200 = tpu.unpack_subelements %bitcast3A_198, 1 {pack_format = #tpu.pack_format<interleaved>} : vector<32xbf16> -> vector<16xf32>
        %mul3A_201 = arith.mulf %bitcast3A, %gather3A_56 : vector<16xf32>
        %add3A_202 = arith.addf %unpack3A_199, %mul3A_201 : vector<16xf32>
        %mul3A_203 = arith.mulf %bitcast3A, %gather3A_64 : vector<16xf32>
        %add3A_204 = arith.addf %unpack3A_200, %mul3A_203 : vector<16xf32>
        %gather3A_205 = tpu.vector_load_idx %arg12[%get3A_162] : memref<10000xi32, #tpu.memory_space<vmem>>[vector<16xi32>], vector<16xi32>,
        %bitcast3A_206 = vector.bitcast %gather3A_205 : vector<16xi32> to vector<32xbf16>
        %unpack3A_207 = tpu.unpack_subelements %bitcast3A_206, 0 {pack_format = #tpu.pack_format<interleaved>} : vector<32xbf16> -> vector<16xf32>
        %unpack3A_208 = tpu.unpack_subelements %bitcast3A_206, 1 {pack_format = #tpu.pack_format<interleaved>} : vector<32xbf16> -> vector<16xf32>
        %max3A_209 = arith.maximumf %unpack3A_207, %add3A_202 : vector<16xf32>
        %max3A_210 = arith.maximumf %unpack3A_208, %add3A_204 : vector<16xf32>
        %pack3A_211 = tpu.pack_subelements %max3A_209, %max3A_210 {pack_format = #tpu.pack_format<interleaved>, positions = array<i32: 0, 1>} : vector<16xf32>, vector<16xf32> -> vector<32xbf16>
        %bitcast3A_212 = vector.bitcast %pack3A_211 : vector<32xbf16> to vector<16xi32>
        tpu.vector_store_idx %arg12[%get3A_162], %bitcast3A_212 masked %eq3A : memref<10000xi32, #tpu.memory_space<vmem>>[vector<16xi32>], vector<16xi32>, vector<16xi1>
        %gather3A_213 = tpu.vector_load_idx %arg9[%get3A_158] : memref<10000xi32, #tpu.memory_space<vmem>>[vector<16xi32>], vector<16xi32>,
        %bitcast3A_214 = vector.bitcast %gather3A_213 : vector<16xi32> to vector<32xbf16>
        %unpack3A_215 = tpu.unpack_subelements %bitcast3A_214, 0 {pack_format = #tpu.pack_format<interleaved>} : vector<32xbf16> -> vector<16xf32>
        %unpack3A_216 = tpu.unpack_subelements %bitcast3A_214, 1 {pack_format = #tpu.pack_format<interleaved>} : vector<32xbf16> -> vector<16xf32>
        %mul3A_217 = arith.mulf %bitcast3A, %gather3A_70 : vector<16xf32>
        %add3A_218 = arith.addf %unpack3A_215, %mul3A_217 : vector<16xf32>
        %mul3A_219 = arith.mulf %bitcast3A, %gather3A_78 : vector<16xf32>
        %add3A_220 = arith.addf %unpack3A_216, %mul3A_219 : vector<16xf32>
        %gather3A_221 = tpu.vector_load_idx %arg13[%get3A_162] : memref<10000xi32, #tpu.memory_space<vmem>>[vector<16xi32>], vector<16xi32>,
        %bitcast3A_222 = vector.bitcast %gather3A_221 : vector<16xi32> to vector<32xbf16>
        %unpack3A_223 = tpu.unpack_subelements %bitcast3A_222, 0 {pack_format = #tpu.pack_format<interleaved>} : vector<32xbf16> -> vector<16xf32>
        %unpack3A_224 = tpu.unpack_subelements %bitcast3A_222, 1 {pack_format = #tpu.pack_format<interleaved>} : vector<32xbf16> -> vector<16xf32>
        %max3A_225 = arith.maximumf %unpack3A_223, %add3A_218 : vector<16xf32>
        %max3A_226 = arith.maximumf %unpack3A_224, %add3A_220 : vector<16xf32>
        %pack3A_227 = tpu.pack_subelements %max3A_225, %max3A_226 {pack_format = #tpu.pack_format<interleaved>, positions = array<i32: 0, 1>} : vector<16xf32>, vector<16xf32> -> vector<32xbf16>
        %bitcast3A_228 = vector.bitcast %pack3A_227 : vector<32xbf16> to vector<16xi32>
        tpu.vector_store_idx %arg13[%get3A_162], %bitcast3A_228 masked %eq3A : memref<10000xi32, #tpu.memory_space<vmem>>[vector<16xi32>], vector<16xi32>, vector<16xi1>
        %not3A = arith.constant dense<true> : vector<16xi1>
        %not3A_229 = arith.xori %eq3A, %not3A : vector<16xi1>
        %reduce_or3A = arith.constant 1.000000e+00 : f32
        %reduce_or3A_230 = arith.constant 0.000000e+00 : f32
        %reduce_or3A_231 = vector.broadcast %reduce_or3A : f32 to vector<16xf32>
        %reduce_or3A_232 = vector.broadcast %reduce_or3A_230 : f32 to vector<16xf32>
        %reduce_or3A_233 = arith.select %not3A_229, %reduce_or3A_231, %reduce_or3A_232 : vector<16xi1>, vector<16xf32>
        %reduce_or3A_234 = arith.constant true
        %reduce_or3A_235 = vector.broadcast %reduce_or3A_234 : i1 to vector<16xi1>
        %reduce_or3A_236 = tpu.scan <max>, %reduce_or3A_233 masked %reduce_or3A_235 : vector<16xf32>, vector<16xi1> -> vector<16xf32>
        %reduce_or3A_237 = vector.extract %reduce_or3A_236[15] : f32 from vector<16xf32>
        %reduce_or3A_238 = arith.constant 0.000000e+00 : f32
        %reduce_or3A_239 = arith.cmpf ogt, %reduce_or3A_237, %reduce_or3A_238 : f32
        %convert_element_type3A_240 = arith.extui %reduce_or3A_239 : i1 to i32
        %cond3A_241 = arith.constant 0 : i32
        %cond3A_242 = arith.cmpi ne, %convert_element_type3A_240, %cond3A_241 : i32
        scf.if %cond3A_242 {
          %while3A = scf.while (%while3A_343 = %not3A_229) : (vector<16xi1>) -> vector<16xi1> {
            %reduce_or3A_344 = arith.constant 1.000000e+00 : f32
            %reduce_or3A_345 = arith.constant 0.000000e+00 : f32
            %reduce_or3A_346 = vector.broadcast %reduce_or3A_344 : f32 to vector<16xf32>
            %reduce_or3A_347 = vector.broadcast %reduce_or3A_345 : f32 to vector<16xf32>
            %reduce_or3A_348 = arith.select %while3A_343, %reduce_or3A_346, %reduce_or3A_347 : vector<16xi1>, vector<16xf32>
            %reduce_or3A_349 = arith.constant true
            %reduce_or3A_350 = vector.broadcast %reduce_or3A_349 : i1 to vector<16xi1>
            %reduce_or3A_351 = tpu.scan <max>, %reduce_or3A_348 masked %reduce_or3A_350 : vector<16xf32>, vector<16xi1> -> vector<16xf32>
            %reduce_or3A_352 = vector.extract %reduce_or3A_351[15] : f32 from vector<16xf32>
            %reduce_or3A_353 = arith.constant 0.000000e+00 : f32
            %reduce_or3A_354 = arith.cmpf ogt, %reduce_or3A_352, %reduce_or3A_353 : f32
            scf.condition(%reduce_or3A_354) %while3A_343 : vector<16xi1>
          } do {
          ^bb0(%while3A_343: vector<16xi1>):
            tpu.vector_store_idx %arg14[%get3A_162], %iota3A masked %while3A_343 : memref<10000xi32, #tpu.memory_space<vmem>>[vector<16xi32>], vector<16xi32>, vector<16xi1>
            %gather3A_344 = tpu.vector_load_idx %arg14[%get3A_162] : memref<10000xi32, #tpu.memory_space<vmem>>[vector<16xi32>], vector<16xi32>,
            %eq3A_345 = arith.cmpi eq, %gather3A_344, %iota3A : vector<16xi32>
            %and3A = arith.andi %while3A_343, %eq3A_345 : vector<16xi1>
            %gather3A_346 = tpu.vector_load_idx %arg10[%get3A_162] : memref<10000xi32, #tpu.memory_space<vmem>>[vector<16xi32>], vector<16xi32>,
            %bitcast3A_347 = vector.bitcast %gather3A_346 : vector<16xi32> to vector<32xbf16>
            %unpack3A_348 = tpu.unpack_subelements %bitcast3A_347, 0 {pack_format = #tpu.pack_format<interleaved>} : vector<32xbf16> -> vector<16xf32>
            %unpack3A_349 = tpu.unpack_subelements %bitcast3A_347, 1 {pack_format = #tpu.pack_format<interleaved>} : vector<32xbf16> -> vector<16xf32>
            %max3A_350 = arith.maximumf %unpack3A_348, %add3A_172 : vector<16xf32>
            %max3A_351 = arith.maximumf %unpack3A_349, %add3A_174 : vector<16xf32>
            %pack3A_352 = tpu.pack_subelements %max3A_350, %max3A_351 {pack_format = #tpu.pack_format<interleaved>, positions = array<i32: 0, 1>} : vector<16xf32>, vector<16xf32> -> vector<32xbf16>
            %bitcast3A_353 = vector.bitcast %pack3A_352 : vector<32xbf16> to vector<16xi32>
            tpu.vector_store_idx %arg10[%get3A_162], %bitcast3A_353 masked %and3A : memref<10000xi32, #tpu.memory_space<vmem>>[vector<16xi32>], vector<16xi32>, vector<16xi1>
            %gather3A_354 = tpu.vector_load_idx %arg11[%get3A_162] : memref<10000xi32, #tpu.memory_space<vmem>>[vector<16xi32>], vector<16xi32>,
            %bitcast3A_355 = vector.bitcast %gather3A_354 : vector<16xi32> to vector<32xbf16>
            %unpack3A_356 = tpu.unpack_subelements %bitcast3A_355, 0 {pack_format = #tpu.pack_format<interleaved>} : vector<32xbf16> -> vector<16xf32>
            %unpack3A_357 = tpu.unpack_subelements %bitcast3A_355, 1 {pack_format = #tpu.pack_format<interleaved>} : vector<32xbf16> -> vector<16xf32>
            %max3A_358 = arith.maximumf %unpack3A_356, %add3A_186 : vector<16xf32>
            %max3A_359 = arith.maximumf %unpack3A_357, %add3A_188 : vector<16xf32>
            %pack3A_360 = tpu.pack_subelements %max3A_358, %max3A_359 {pack_format = #tpu.pack_format<interleaved>, positions = array<i32: 0, 1>} : vector<16xf32>, vector<16xf32> -> vector<32xbf16>
            %bitcast3A_361 = vector.bitcast %pack3A_360 : vector<32xbf16> to vector<16xi32>
            tpu.vector_store_idx %arg11[%get3A_162], %bitcast3A_361 masked %and3A : memref<10000xi32, #tpu.memory_space<vmem>>[vector<16xi32>], vector<16xi32>, vector<16xi1>
            %gather3A_362 = tpu.vector_load_idx %arg12[%get3A_162] : memref<10000xi32, #tpu.memory_space<vmem>>[vector<16xi32>], vector<16xi32>,
            %bitcast3A_363 = vector.bitcast %gather3A_362 : vector<16xi32> to vector<32xbf16>
            %unpack3A_364 = tpu.unpack_subelements %bitcast3A_363, 0 {pack_format = #tpu.pack_format<interleaved>} : vector<32xbf16> -> vector<16xf32>
            %unpack3A_365 = tpu.unpack_subelements %bitcast3A_363, 1 {pack_format = #tpu.pack_format<interleaved>} : vector<32xbf16> -> vector<16xf32>
            %max3A_366 = arith.maximumf %unpack3A_364, %add3A_202 : vector<16xf32>
            %max3A_367 = arith.maximumf %unpack3A_365, %add3A_204 : vector<16xf32>
            %pack3A_368 = tpu.pack_subelements %max3A_366, %max3A_367 {pack_format = #tpu.pack_format<interleaved>, positions = array<i32: 0, 1>} : vector<16xf32>, vector<16xf32> -> vector<32xbf16>
            %bitcast3A_369 = vector.bitcast %pack3A_368 : vector<32xbf16> to vector<16xi32>
            tpu.vector_store_idx %arg12[%get3A_162], %bitcast3A_369 masked %and3A : memref<10000xi32, #tpu.memory_space<vmem>>[vector<16xi32>], vector<16xi32>, vector<16xi1>
            %gather3A_370 = tpu.vector_load_idx %arg13[%get3A_162] : memref<10000xi32, #tpu.memory_space<vmem>>[vector<16xi32>], vector<16xi32>,
            %bitcast3A_371 = vector.bitcast %gather3A_370 : vector<16xi32> to vector<32xbf16>
            %unpack3A_372 = tpu.unpack_subelements %bitcast3A_371, 0 {pack_format = #tpu.pack_format<interleaved>} : vector<32xbf16> -> vector<16xf32>
            %unpack3A_373 = tpu.unpack_subelements %bitcast3A_371, 1 {pack_format = #tpu.pack_format<interleaved>} : vector<32xbf16> -> vector<16xf32>
            %max3A_374 = arith.maximumf %unpack3A_372, %add3A_218 : vector<16xf32>
            %max3A_375 = arith.maximumf %unpack3A_373, %add3A_220 : vector<16xf32>
            %pack3A_376 = tpu.pack_subelements %max3A_374, %max3A_375 {pack_format = #tpu.pack_format<interleaved>, positions = array<i32: 0, 1>} : vector<16xf32>, vector<16xf32> -> vector<32xbf16>
            %bitcast3A_377 = vector.bitcast %pack3A_376 : vector<32xbf16> to vector<16xi32>
            tpu.vector_store_idx %arg13[%get3A_162], %bitcast3A_377 masked %and3A : memref<10000xi32, #tpu.memory_space<vmem>>[vector<16xi32>], vector<16xi32>, vector<16xi1>
            %not3A_378 = arith.constant dense<true> : vector<16xi1>
            %not3A_379 = arith.xori %and3A, %not3A_378 : vector<16xi1>
            %and3A_380 = arith.andi %while3A_343, %not3A_379 : vector<16xi1>
            scf.yield %and3A_380 : vector<16xi1>
          }
        } else {
        }
        %mul3A_243 = arith.constant 2 : i32
        %mul3A_244 = arith.muli %scan3A_150, %mul3A_243 : i32
        %add3A_245 = arith.constant 1 : i32
        %add3A_246 = arith.addi %mul3A_244, %add3A_245 : i32
        %mul3A_247 = arith.constant 16 : i32
        %mul3A_248 = arith.muli %add3A_246, %mul3A_247 : i32
        %get3A_249 = arith.index_cast %mul3A_248 : i32 to index
        %get3A_250 = tpu.vector_load %arg17[%get3A_249] {strides = array<i32>} : memref<12000xi32, #tpu.memory_space<vmem>>, vector<16xi32>,
        %add3A_251 = arith.constant 4000 : i32
        %add3A_252 = arith.addi %add3A_251, %mul3A_248 : i32
        %get3A_253 = arith.index_cast %add3A_252 : i32 to index
        %get3A_254 = tpu.vector_load %arg17[%get3A_253] {strides = array<i32>} : memref<12000xi32, #tpu.memory_space<vmem>>, vector<16xi32>,
        %add3A_255 = arith.constant 8000 : i32
        %add3A_256 = arith.addi %add3A_255, %mul3A_248 : i32
        %get3A_257 = arith.index_cast %add3A_256 : i32 to index
        %get3A_258 = tpu.vector_load %arg17[%get3A_257] {strides = array<i32>} : memref<12000xi32, #tpu.memory_space<vmem>>, vector<16xi32>,
        %bitcast3A_259 = vector.bitcast %get3A_258 : vector<16xi32> to vector<16xf32>
        tpu.vector_store_idx %arg15[%get3A_254], %iota3A : memref<10000xi32, #tpu.memory_space<vmem>>[vector<16xi32>], vector<16xi32>,
        %gather3A_260 = tpu.vector_load_idx %arg15[%get3A_254] : memref<10000xi32, #tpu.memory_space<vmem>>[vector<16xi32>], vector<16xi32>,
        %eq3A_261 = arith.cmpi eq, %gather3A_260, %iota3A : vector<16xi32>
        %gather3A_262 = tpu.vector_load_idx %arg6[%get3A_250] : memref<10000xi32, #tpu.memory_space<vmem>>[vector<16xi32>], vector<16xi32>,
        %bitcast3A_263 = vector.bitcast %gather3A_262 : vector<16xi32> to vector<32xbf16>
        %unpack3A_264 = tpu.unpack_subelements %bitcast3A_263, 0 {pack_format = #tpu.pack_format<interleaved>} : vector<32xbf16> -> vector<16xf32>
        %unpack3A_265 = tpu.unpack_subelements %bitcast3A_263, 1 {pack_format = #tpu.pack_format<interleaved>} : vector<32xbf16> -> vector<16xf32>
        %mul3A_266 = arith.mulf %bitcast3A_259, %gather3A : vector<16xf32>
        %add3A_267 = arith.addf %unpack3A_264, %mul3A_266 : vector<16xf32>
        %mul3A_268 = arith.mulf %bitcast3A_259, %gather3A_36 : vector<16xf32>
        %add3A_269 = arith.addf %unpack3A_265, %mul3A_268 : vector<16xf32>
        %gather3A_270 = tpu.vector_load_idx %arg10[%get3A_254] : memref<10000xi32, #tpu.memory_space<vmem>>[vector<16xi32>], vector<16xi32>,
        %bitcast3A_271 = vector.bitcast %gather3A_270 : vector<16xi32> to vector<32xbf16>
        %unpack3A_272 = tpu.unpack_subelements %bitcast3A_271, 0 {pack_format = #tpu.pack_format<interleaved>} : vector<32xbf16> -> vector<16xf32>
        %unpack3A_273 = tpu.unpack_subelements %bitcast3A_271, 1 {pack_format = #tpu.pack_format<interleaved>} : vector<32xbf16> -> vector<16xf32>
        %max3A_274 = arith.maximumf %unpack3A_272, %add3A_267 : vector<16xf32>
        %max3A_275 = arith.maximumf %unpack3A_273, %add3A_269 : vector<16xf32>
        %pack3A_276 = tpu.pack_subelements %max3A_274, %max3A_275 {pack_format = #tpu.pack_format<interleaved>, positions = array<i32: 0, 1>} : vector<16xf32>, vector<16xf32> -> vector<32xbf16>
        %bitcast3A_277 = vector.bitcast %pack3A_276 : vector<32xbf16> to vector<16xi32>
        tpu.vector_store_idx %arg10[%get3A_254], %bitcast3A_277 masked %eq3A_261 : memref<10000xi32, #tpu.memory_space<vmem>>[vector<16xi32>], vector<16xi32>, vector<16xi1>
        %gather3A_278 = tpu.vector_load_idx %arg7[%get3A_250] : memref<10000xi32, #tpu.memory_space<vmem>>[vector<16xi32>], vector<16xi32>,
        %bitcast3A_279 = vector.bitcast %gather3A_278 : vector<16xi32> to vector<32xbf16>
        %unpack3A_280 = tpu.unpack_subelements %bitcast3A_279, 0 {pack_format = #tpu.pack_format<interleaved>} : vector<32xbf16> -> vector<16xf32>
        %unpack3A_281 = tpu.unpack_subelements %bitcast3A_279, 1 {pack_format = #tpu.pack_format<interleaved>} : vector<32xbf16> -> vector<16xf32>
        %mul3A_282 = arith.mulf %bitcast3A_259, %gather3A_42 : vector<16xf32>
        %add3A_283 = arith.addf %unpack3A_280, %mul3A_282 : vector<16xf32>
        %mul3A_284 = arith.mulf %bitcast3A_259, %gather3A_50 : vector<16xf32>
        %add3A_285 = arith.addf %unpack3A_281, %mul3A_284 : vector<16xf32>
        %gather3A_286 = tpu.vector_load_idx %arg11[%get3A_254] : memref<10000xi32, #tpu.memory_space<vmem>>[vector<16xi32>], vector<16xi32>,
        %bitcast3A_287 = vector.bitcast %gather3A_286 : vector<16xi32> to vector<32xbf16>
        %unpack3A_288 = tpu.unpack_subelements %bitcast3A_287, 0 {pack_format = #tpu.pack_format<interleaved>} : vector<32xbf16> -> vector<16xf32>
        %unpack3A_289 = tpu.unpack_subelements %bitcast3A_287, 1 {pack_format = #tpu.pack_format<interleaved>} : vector<32xbf16> -> vector<16xf32>
        %max3A_290 = arith.maximumf %unpack3A_288, %add3A_283 : vector<16xf32>
        %max3A_291 = arith.maximumf %unpack3A_289, %add3A_285 : vector<16xf32>
        %pack3A_292 = tpu.pack_subelements %max3A_290, %max3A_291 {pack_format = #tpu.pack_format<interleaved>, positions = array<i32: 0, 1>} : vector<16xf32>, vector<16xf32> -> vector<32xbf16>
        %bitcast3A_293 = vector.bitcast %pack3A_292 : vector<32xbf16> to vector<16xi32>
        tpu.vector_store_idx %arg11[%get3A_254], %bitcast3A_293 masked %eq3A_261 : memref<10000xi32, #tpu.memory_space<vmem>>[vector<16xi32>], vector<16xi32>, vector<16xi1>
        %gather3A_294 = tpu.vector_load_idx %arg8[%get3A_250] : memref<10000xi32, #tpu.memory_space<vmem>>[vector<16xi32>], vector<16xi32>,
        %bitcast3A_295 = vector.bitcast %gather3A_294 : vector<16xi32> to vector<32xbf16>
        %unpack3A_296 = tpu.unpack_subelements %bitcast3A_295, 0 {pack_format = #tpu.pack_format<interleaved>} : vector<32xbf16> -> vector<16xf32>
        %unpack3A_297 = tpu.unpack_subelements %bitcast3A_295, 1 {pack_format = #tpu.pack_format<interleaved>} : vector<32xbf16> -> vector<16xf32>
        %mul3A_298 = arith.mulf %bitcast3A_259, %gather3A_56 : vector<16xf32>
        %add3A_299 = arith.addf %unpack3A_296, %mul3A_298 : vector<16xf32>
        %mul3A_300 = arith.mulf %bitcast3A_259, %gather3A_64 : vector<16xf32>
        %add3A_301 = arith.addf %unpack3A_297, %mul3A_300 : vector<16xf32>
        %gather3A_302 = tpu.vector_load_idx %arg12[%get3A_254] : memref<10000xi32, #tpu.memory_space<vmem>>[vector<16xi32>], vector<16xi32>,
        %bitcast3A_303 = vector.bitcast %gather3A_302 : vector<16xi32> to vector<32xbf16>
        %unpack3A_304 = tpu.unpack_subelements %bitcast3A_303, 0 {pack_format = #tpu.pack_format<interleaved>} : vector<32xbf16> -> vector<16xf32>
        %unpack3A_305 = tpu.unpack_subelements %bitcast3A_303, 1 {pack_format = #tpu.pack_format<interleaved>} : vector<32xbf16> -> vector<16xf32>
        %max3A_306 = arith.maximumf %unpack3A_304, %add3A_299 : vector<16xf32>
        %max3A_307 = arith.maximumf %unpack3A_305, %add3A_301 : vector<16xf32>
        %pack3A_308 = tpu.pack_subelements %max3A_306, %max3A_307 {pack_format = #tpu.pack_format<interleaved>, positions = array<i32: 0, 1>} : vector<16xf32>, vector<16xf32> -> vector<32xbf16>
        %bitcast3A_309 = vector.bitcast %pack3A_308 : vector<32xbf16> to vector<16xi32>
        tpu.vector_store_idx %arg12[%get3A_254], %bitcast3A_309 masked %eq3A_261 : memref<10000xi32, #tpu.memory_space<vmem>>[vector<16xi32>], vector<16xi32>, vector<16xi1>
        %gather3A_310 = tpu.vector_load_idx %arg9[%get3A_250] : memref<10000xi32, #tpu.memory_space<vmem>>[vector<16xi32>], vector<16xi32>,
        %bitcast3A_311 = vector.bitcast %gather3A_310 : vector<16xi32> to vector<32xbf16>
        %unpack3A_312 = tpu.unpack_subelements %bitcast3A_311, 0 {pack_format = #tpu.pack_format<interleaved>} : vector<32xbf16> -> vector<16xf32>
        %unpack3A_313 = tpu.unpack_subelements %bitcast3A_311, 1 {pack_format = #tpu.pack_format<interleaved>} : vector<32xbf16> -> vector<16xf32>
        %mul3A_314 = arith.mulf %bitcast3A_259, %gather3A_70 : vector<16xf32>
        %add3A_315 = arith.addf %unpack3A_312, %mul3A_314 : vector<16xf32>
        %mul3A_316 = arith.mulf %bitcast3A_259, %gather3A_78 : vector<16xf32>
        %add3A_317 = arith.addf %unpack3A_313, %mul3A_316 : vector<16xf32>
        %gather3A_318 = tpu.vector_load_idx %arg13[%get3A_254] : memref<10000xi32, #tpu.memory_space<vmem>>[vector<16xi32>], vector<16xi32>,
        %bitcast3A_319 = vector.bitcast %gather3A_318 : vector<16xi32> to vector<32xbf16>
        %unpack3A_320 = tpu.unpack_subelements %bitcast3A_319, 0 {pack_format = #tpu.pack_format<interleaved>} : vector<32xbf16> -> vector<16xf32>
        %unpack3A_321 = tpu.unpack_subelements %bitcast3A_319, 1 {pack_format = #tpu.pack_format<interleaved>} : vector<32xbf16> -> vector<16xf32>
        %max3A_322 = arith.maximumf %unpack3A_320, %add3A_315 : vector<16xf32>
        %max3A_323 = arith.maximumf %unpack3A_321, %add3A_317 : vector<16xf32>
        %pack3A_324 = tpu.pack_subelements %max3A_322, %max3A_323 {pack_format = #tpu.pack_format<interleaved>, positions = array<i32: 0, 1>} : vector<16xf32>, vector<16xf32> -> vector<32xbf16>
        %bitcast3A_325 = vector.bitcast %pack3A_324 : vector<32xbf16> to vector<16xi32>
        tpu.vector_store_idx %arg13[%get3A_254], %bitcast3A_325 masked %eq3A_261 : memref<10000xi32, #tpu.memory_space<vmem>>[vector<16xi32>], vector<16xi32>, vector<16xi1>
        %not3A_326 = arith.constant dense<true> : vector<16xi1>
        %not3A_327 = arith.xori %eq3A_261, %not3A_326 : vector<16xi1>
        %reduce_or3A_328 = arith.constant 1.000000e+00 : f32
        %reduce_or3A_329 = arith.constant 0.000000e+00 : f32
        %reduce_or3A_330 = vector.broadcast %reduce_or3A_328 : f32 to vector<16xf32>
        %reduce_or3A_331 = vector.broadcast %reduce_or3A_329 : f32 to vector<16xf32>
        %reduce_or3A_332 = arith.select %not3A_327, %reduce_or3A_330, %reduce_or3A_331 : vector<16xi1>, vector<16xf32>
        %reduce_or3A_333 = arith.constant true
        %reduce_or3A_334 = vector.broadcast %reduce_or3A_333 : i1 to vector<16xi1>
        %reduce_or3A_335 = tpu.scan <max>, %reduce_or3A_332 masked %reduce_or3A_334 : vector<16xf32>, vector<16xi1> -> vector<16xf32>
        %reduce_or3A_336 = vector.extract %reduce_or3A_335[15] : f32 from vector<16xf32>
        %reduce_or3A_337 = arith.constant 0.000000e+00 : f32
        %reduce_or3A_338 = arith.cmpf ogt, %reduce_or3A_336, %reduce_or3A_337 : f32
        %convert_element_type3A_339 = arith.extui %reduce_or3A_338 : i1 to i32
        %cond3A_340 = arith.constant 0 : i32
        %cond3A_341 = arith.cmpi ne, %convert_element_type3A_339, %cond3A_340 : i32
        scf.if %cond3A_341 {
          %while3A = scf.while (%while3A_343 = %not3A_327) : (vector<16xi1>) -> vector<16xi1> {
            %reduce_or3A_344 = arith.constant 1.000000e+00 : f32
            %reduce_or3A_345 = arith.constant 0.000000e+00 : f32
            %reduce_or3A_346 = vector.broadcast %reduce_or3A_344 : f32 to vector<16xf32>
            %reduce_or3A_347 = vector.broadcast %reduce_or3A_345 : f32 to vector<16xf32>
            %reduce_or3A_348 = arith.select %while3A_343, %reduce_or3A_346, %reduce_or3A_347 : vector<16xi1>, vector<16xf32>
            %reduce_or3A_349 = arith.constant true
            %reduce_or3A_350 = vector.broadcast %reduce_or3A_349 : i1 to vector<16xi1>
            %reduce_or3A_351 = tpu.scan <max>, %reduce_or3A_348 masked %reduce_or3A_350 : vector<16xf32>, vector<16xi1> -> vector<16xf32>
            %reduce_or3A_352 = vector.extract %reduce_or3A_351[15] : f32 from vector<16xf32>
            %reduce_or3A_353 = arith.constant 0.000000e+00 : f32
            %reduce_or3A_354 = arith.cmpf ogt, %reduce_or3A_352, %reduce_or3A_353 : f32
            scf.condition(%reduce_or3A_354) %while3A_343 : vector<16xi1>
          } do {
          ^bb0(%while3A_343: vector<16xi1>):
            tpu.vector_store_idx %arg15[%get3A_254], %iota3A masked %while3A_343 : memref<10000xi32, #tpu.memory_space<vmem>>[vector<16xi32>], vector<16xi32>, vector<16xi1>
            %gather3A_344 = tpu.vector_load_idx %arg15[%get3A_254] : memref<10000xi32, #tpu.memory_space<vmem>>[vector<16xi32>], vector<16xi32>,
            %eq3A_345 = arith.cmpi eq, %gather3A_344, %iota3A : vector<16xi32>
            %and3A = arith.andi %while3A_343, %eq3A_345 : vector<16xi1>
            %gather3A_346 = tpu.vector_load_idx %arg10[%get3A_254] : memref<10000xi32, #tpu.memory_space<vmem>>[vector<16xi32>], vector<16xi32>,
            %bitcast3A_347 = vector.bitcast %gather3A_346 : vector<16xi32> to vector<32xbf16>
            %unpack3A_348 = tpu.unpack_subelements %bitcast3A_347, 0 {pack_format = #tpu.pack_format<interleaved>} : vector<32xbf16> -> vector<16xf32>
            %unpack3A_349 = tpu.unpack_subelements %bitcast3A_347, 1 {pack_format = #tpu.pack_format<interleaved>} : vector<32xbf16> -> vector<16xf32>
            %max3A_350 = arith.maximumf %unpack3A_348, %add3A_267 : vector<16xf32>
            %max3A_351 = arith.maximumf %unpack3A_349, %add3A_269 : vector<16xf32>
            %pack3A_352 = tpu.pack_subelements %max3A_350, %max3A_351 {pack_format = #tpu.pack_format<interleaved>, positions = array<i32: 0, 1>} : vector<16xf32>, vector<16xf32> -> vector<32xbf16>
            %bitcast3A_353 = vector.bitcast %pack3A_352 : vector<32xbf16> to vector<16xi32>
            tpu.vector_store_idx %arg10[%get3A_254], %bitcast3A_353 masked %and3A : memref<10000xi32, #tpu.memory_space<vmem>>[vector<16xi32>], vector<16xi32>, vector<16xi1>
            %gather3A_354 = tpu.vector_load_idx %arg11[%get3A_254] : memref<10000xi32, #tpu.memory_space<vmem>>[vector<16xi32>], vector<16xi32>,
            %bitcast3A_355 = vector.bitcast %gather3A_354 : vector<16xi32> to vector<32xbf16>
            %unpack3A_356 = tpu.unpack_subelements %bitcast3A_355, 0 {pack_format = #tpu.pack_format<interleaved>} : vector<32xbf16> -> vector<16xf32>
            %unpack3A_357 = tpu.unpack_subelements %bitcast3A_355, 1 {pack_format = #tpu.pack_format<interleaved>} : vector<32xbf16> -> vector<16xf32>
            %max3A_358 = arith.maximumf %unpack3A_356, %add3A_283 : vector<16xf32>
            %max3A_359 = arith.maximumf %unpack3A_357, %add3A_285 : vector<16xf32>
            %pack3A_360 = tpu.pack_subelements %max3A_358, %max3A_359 {pack_format = #tpu.pack_format<interleaved>, positions = array<i32: 0, 1>} : vector<16xf32>, vector<16xf32> -> vector<32xbf16>
            %bitcast3A_361 = vector.bitcast %pack3A_360 : vector<32xbf16> to vector<16xi32>
            tpu.vector_store_idx %arg11[%get3A_254], %bitcast3A_361 masked %and3A : memref<10000xi32, #tpu.memory_space<vmem>>[vector<16xi32>], vector<16xi32>, vector<16xi1>
            %gather3A_362 = tpu.vector_load_idx %arg12[%get3A_254] : memref<10000xi32, #tpu.memory_space<vmem>>[vector<16xi32>], vector<16xi32>,
            %bitcast3A_363 = vector.bitcast %gather3A_362 : vector<16xi32> to vector<32xbf16>
            %unpack3A_364 = tpu.unpack_subelements %bitcast3A_363, 0 {pack_format = #tpu.pack_format<interleaved>} : vector<32xbf16> -> vector<16xf32>
            %unpack3A_365 = tpu.unpack_subelements %bitcast3A_363, 1 {pack_format = #tpu.pack_format<interleaved>} : vector<32xbf16> -> vector<16xf32>
            %max3A_366 = arith.maximumf %unpack3A_364, %add3A_299 : vector<16xf32>
            %max3A_367 = arith.maximumf %unpack3A_365, %add3A_301 : vector<16xf32>
            %pack3A_368 = tpu.pack_subelements %max3A_366, %max3A_367 {pack_format = #tpu.pack_format<interleaved>, positions = array<i32: 0, 1>} : vector<16xf32>, vector<16xf32> -> vector<32xbf16>
            %bitcast3A_369 = vector.bitcast %pack3A_368 : vector<32xbf16> to vector<16xi32>
            tpu.vector_store_idx %arg12[%get3A_254], %bitcast3A_369 masked %and3A : memref<10000xi32, #tpu.memory_space<vmem>>[vector<16xi32>], vector<16xi32>, vector<16xi1>
            %gather3A_370 = tpu.vector_load_idx %arg13[%get3A_254] : memref<10000xi32, #tpu.memory_space<vmem>>[vector<16xi32>], vector<16xi32>,
            %bitcast3A_371 = vector.bitcast %gather3A_370 : vector<16xi32> to vector<32xbf16>
            %unpack3A_372 = tpu.unpack_subelements %bitcast3A_371, 0 {pack_format = #tpu.pack_format<interleaved>} : vector<32xbf16> -> vector<16xf32>
            %unpack3A_373 = tpu.unpack_subelements %bitcast3A_371, 1 {pack_format = #tpu.pack_format<interleaved>} : vector<32xbf16> -> vector<16xf32>
            %max3A_374 = arith.maximumf %unpack3A_372, %add3A_315 : vector<16xf32>
            %max3A_375 = arith.maximumf %unpack3A_373, %add3A_317 : vector<16xf32>
            %pack3A_376 = tpu.pack_subelements %max3A_374, %max3A_375 {pack_format = #tpu.pack_format<interleaved>, positions = array<i32: 0, 1>} : vector<16xf32>, vector<16xf32> -> vector<32xbf16>
            %bitcast3A_377 = vector.bitcast %pack3A_376 : vector<32xbf16> to vector<16xi32>
            tpu.vector_store_idx %arg13[%get3A_254], %bitcast3A_377 masked %and3A : memref<10000xi32, #tpu.memory_space<vmem>>[vector<16xi32>], vector<16xi32>, vector<16xi1>
            %not3A_378 = arith.constant dense<true> : vector<16xi1>
            %not3A_379 = arith.xori %and3A, %not3A_378 : vector<16xi1>
            %and3A_380 = arith.andi %while3A_343, %not3A_379 : vector<16xi1>
            scf.yield %and3A_380 : vector<16xi1>
          }
        } else {
        }
        %scan3A_342 = arith.constant 0 : i32
        scf.yield %scan3A_342 : i32
      }
      %scan3A_139 = arith.constant 125 : i32
      %add3A_140 = arith.constant 2 : i32
      %add3A_141 = arith.addi %mul3A_112, %add3A_140 : i32
      %add3A_142 = arith.constant 1 : i32
      %add3A_143 = arith.addi %add3A_141, %add3A_142 : i32
      %lt3A_144 = arith.constant 80 : i32
      %lt3A_145 = arith.cmpi slt, %add3A_143, %lt3A_144 : i32
      %convert_element_type3A_146 = arith.extui %lt3A_145 : i1 to i32
      %cond3A_147 = arith.constant 0 : i32
      %cond3A_148 = arith.cmpi ne, %convert_element_type3A_146, %cond3A_147 : i32
      scf.if %cond3A_148 {
        %add3A_150 = arith.constant 2 : i32
        %add3A_151 = arith.addi %mul3A_112, %add3A_150 : i32
        %add3A_152 = arith.constant 1 : i32
        %add3A_153 = arith.addi %add3A_151, %add3A_152 : i32
        %mul3A_154 = arith.constant 12000 : i32
        %mul3A_155 = arith.muli %add3A_153, %mul3A_154 : i32
        %dma_start3A_156 = tpu.memref_slice %arg3[%mul3A_155] : memref<960000xi32, #tpu.memory_space<hbm>> -> memref<12000xi32, #tpu.memory_space<hbm>>
        %dma_start3A_157 = tpu.memref_slice %arg3[%mul3A_155] : memref<960000xi32, #tpu.memory_space<hbm>> -> memref<12000xi32, #tpu.memory_space<hbm>>
        tpu.enqueue_dma source(%dma_start3A_157 : memref<12000xi32, #tpu.memory_space<hbm>>) target(%arg17 : memref<12000xi32, #tpu.memory_space<vmem>>) target_semaphore(%arg20 : memref<!tpu.dma_semaphore, #tpu.memory_space<semaphore_mem>>)
      } else {
      }
      %scan3A_149 = arith.constant 0 : i32
      scf.yield %scan3A_149 : i32
    }
    %scan3A_92 = arith.constant 40 : i32
    %add3A_93 = arith.constant 0 : i32
    %add3A_94 = arith.addi %mul3A_2, %add3A_93 : i32
    %mul3A_95 = arith.constant 10000 : i32
    %mul3A_96 = arith.muli %add3A_94, %mul3A_95 : i32
    "tpu.region"() ({
      %run_scoped3A = tpu.sem_alloc : memref<!tpu.dma_semaphore, #tpu.memory_space<semaphore_mem>>
      %dma_start3A_109 = tpu.memref_slice %arg5[%mul3A_96] : memref<1280000xi32, #tpu.memory_space<hbm>> -> memref<10000xi32, #tpu.memory_space<hbm>>
      %dma_start3A_110 = tpu.memref_slice %arg5[%mul3A_96] : memref<1280000xi32, #tpu.memory_space<hbm>> -> memref<10000xi32, #tpu.memory_space<hbm>>
      tpu.enqueue_dma source(%arg10 : memref<10000xi32, #tpu.memory_space<vmem>>) target(%dma_start3A_110 : memref<10000xi32, #tpu.memory_space<hbm>>) target_semaphore(%run_scoped3A : memref<!tpu.dma_semaphore, #tpu.memory_space<semaphore_mem>>)
      %dma_wait3A = tpu.memref_slice %arg5[%mul3A_96] : memref<1280000xi32, #tpu.memory_space<hbm>> -> memref<10000xi32, #tpu.memory_space<hbm>>
      %dma_wait3A_111 = tpu.memref_slice %arg5[%mul3A_96] : memref<1280000xi32, #tpu.memory_space<hbm>> -> memref<10000xi32, #tpu.memory_space<hbm>>
      tpu.wait_dma2 semaphore(%run_scoped3A : memref<!tpu.dma_semaphore, #tpu.memory_space<semaphore_mem>>) src(%arg10 : memref<10000xi32, #tpu.memory_space<vmem>>) dst(%dma_wait3A_111 : memref<10000xi32, #tpu.memory_space<hbm>>)
      tpu.yield
    }) : () -> ()
    %add3A_97 = arith.constant 1 : i32
    %add3A_98 = arith.addi %mul3A_2, %add3A_97 : i32
    %mul3A_99 = arith.constant 10000 : i32
    %mul3A_100 = arith.muli %add3A_98, %mul3A_99 : i32
    "tpu.region"() ({
      %run_scoped3A = tpu.sem_alloc : memref<!tpu.dma_semaphore, #tpu.memory_space<semaphore_mem>>
      %dma_start3A_109 = tpu.memref_slice %arg5[%mul3A_100] : memref<1280000xi32, #tpu.memory_space<hbm>> -> memref<10000xi32, #tpu.memory_space<hbm>>
      %dma_start3A_110 = tpu.memref_slice %arg5[%mul3A_100] : memref<1280000xi32, #tpu.memory_space<hbm>> -> memref<10000xi32, #tpu.memory_space<hbm>>
      tpu.enqueue_dma source(%arg11 : memref<10000xi32, #tpu.memory_space<vmem>>) target(%dma_start3A_110 : memref<10000xi32, #tpu.memory_space<hbm>>) target_semaphore(%run_scoped3A : memref<!tpu.dma_semaphore, #tpu.memory_space<semaphore_mem>>)
      %dma_wait3A = tpu.memref_slice %arg5[%mul3A_100] : memref<1280000xi32, #tpu.memory_space<hbm>> -> memref<10000xi32, #tpu.memory_space<hbm>>
      %dma_wait3A_111 = tpu.memref_slice %arg5[%mul3A_100] : memref<1280000xi32, #tpu.memory_space<hbm>> -> memref<10000xi32, #tpu.memory_space<hbm>>
      tpu.wait_dma2 semaphore(%run_scoped3A : memref<!tpu.dma_semaphore, #tpu.memory_space<semaphore_mem>>) src(%arg11 : memref<10000xi32, #tpu.memory_space<vmem>>) dst(%dma_wait3A_111 : memref<10000xi32, #tpu.memory_space<hbm>>)
      tpu.yield
    }) : () -> ()
    %add3A_101 = arith.constant 2 : i32
    %add3A_102 = arith.addi %mul3A_2, %add3A_101 : i32
    %mul3A_103 = arith.constant 10000 : i32
    %mul3A_104 = arith.muli %add3A_102, %mul3A_103 : i32
    "tpu.region"() ({
      %run_scoped3A = tpu.sem_alloc : memref<!tpu.dma_semaphore, #tpu.memory_space<semaphore_mem>>
      %dma_start3A_109 = tpu.memref_slice %arg5[%mul3A_104] : memref<1280000xi32, #tpu.memory_space<hbm>> -> memref<10000xi32, #tpu.memory_space<hbm>>
      %dma_start3A_110 = tpu.memref_slice %arg5[%mul3A_104] : memref<1280000xi32, #tpu.memory_space<hbm>> -> memref<10000xi32, #tpu.memory_space<hbm>>
      tpu.enqueue_dma source(%arg12 : memref<10000xi32, #tpu.memory_space<vmem>>) target(%dma_start3A_110 : memref<10000xi32, #tpu.memory_space<hbm>>) target_semaphore(%run_scoped3A : memref<!tpu.dma_semaphore, #tpu.memory_space<semaphore_mem>>)
      %dma_wait3A = tpu.memref_slice %arg5[%mul3A_104] : memref<1280000xi32, #tpu.memory_space<hbm>> -> memref<10000xi32, #tpu.memory_space<hbm>>
      %dma_wait3A_111 = tpu.memref_slice %arg5[%mul3A_104] : memref<1280000xi32, #tpu.memory_space<hbm>> -> memref<10000xi32, #tpu.memory_space<hbm>>
      tpu.wait_dma2 semaphore(%run_scoped3A : memref<!tpu.dma_semaphore, #tpu.memory_space<semaphore_mem>>) src(%arg12 : memref<10000xi32, #tpu.memory_space<vmem>>) dst(%dma_wait3A_111 : memref<10000xi32, #tpu.memory_space<hbm>>)
      tpu.yield
    }) : () -> ()
    %add3A_105 = arith.constant 3 : i32
    %add3A_106 = arith.addi %mul3A_2, %add3A_105 : i32
    %mul3A_107 = arith.constant 10000 : i32
    %mul3A_108 = arith.muli %add3A_106, %mul3A_107 : i32
    "tpu.region"() ({
      %run_scoped3A = tpu.sem_alloc : memref<!tpu.dma_semaphore, #tpu.memory_space<semaphore_mem>>
      %dma_start3A_109 = tpu.memref_slice %arg5[%mul3A_108] : memref<1280000xi32, #tpu.memory_space<hbm>> -> memref<10000xi32, #tpu.memory_space<hbm>>
      %dma_start3A_110 = tpu.memref_slice %arg5[%mul3A_108] : memref<1280000xi32, #tpu.memory_space<hbm>> -> memref<10000xi32, #tpu.memory_space<hbm>>
      tpu.enqueue_dma source(%arg13 : memref<10000xi32, #tpu.memory_space<vmem>>) target(%dma_start3A_110 : memref<10000xi32, #tpu.memory_space<hbm>>) target_semaphore(%run_scoped3A : memref<!tpu.dma_semaphore, #tpu.memory_space<semaphore_mem>>)
      %dma_wait3A = tpu.memref_slice %arg5[%mul3A_108] : memref<1280000xi32, #tpu.memory_space<hbm>> -> memref<10000xi32, #tpu.memory_space<hbm>>
      %dma_wait3A_111 = tpu.memref_slice %arg5[%mul3A_108] : memref<1280000xi32, #tpu.memory_space<hbm>> -> memref<10000xi32, #tpu.memory_space<hbm>>
      tpu.wait_dma2 semaphore(%run_scoped3A : memref<!tpu.dma_semaphore, #tpu.memory_space<semaphore_mem>>) src(%arg13 : memref<10000xi32, #tpu.memory_space<vmem>>) dst(%dma_wait3A_111 : memref<10000xi32, #tpu.memory_space<hbm>>)
      tpu.yield
    }) : () -> ()
    return
  }
}

module attributes {stable_mosaic.version = 14 : i64} {
  func.func @_tc_pre_body(%arg0: i32, %arg1: memref<1024x1xf32, #tpu.memory_space<vmem>>, %arg2: memref<1024x1xf32, #tpu.memory_space<vmem>>, %arg3: memref<1024x128xf32, #tpu.memory_space<vmem>>, %arg4: memref<1024x128xf32, #tpu.memory_space<vmem>>, %arg5: memref<1x128xf32, #tpu.memory_space<vmem>>, %arg6: memref<128x128xf32, #tpu.memory_space<vmem>>, %arg7: memref<1x128xf32, #tpu.memory_space<vmem>>, %arg8: memref<1x128xf32, #tpu.memory_space<vmem>>, %arg9: memref<128x128xf32, #tpu.memory_space<vmem>>, %arg10: memref<1x128xf32, #tpu.memory_space<vmem>>, %arg11: memref<128x128xf32, #tpu.memory_space<vmem>>, %arg12: memref<128x128xf32, #tpu.memory_space<vmem>>, %arg13: memref<128x1xf32, #tpu.memory_space<vmem>>, %arg14: memref<1024x128xf32, #tpu.memory_space<vmem>>, %arg15: memref<1024x128xf32, #tpu.memory_space<vmem>>, %arg16: memref<128x1024xf32, #tpu.memory_space<vmem>>, %arg17: memref<128x1024xf32, #tpu.memory_space<vmem>>, %arg18: memref<256x1024xf32, #tpu.memory_space<vmem>>) attributes {dimension_semantics = [#tpu.dimension_semantics<arbitrary>], iteration_bounds = array<i64: 10>, scalar_prefetch = 0 : i64, scratch_operands = 0 : i64, tpu.core_type = #tpu.core_type<tc>, window_params = [{transform_indices = @transform_0, window_bounds = array<i64: 1024, 1>}, {transform_indices = @transform_1, window_bounds = array<i64: 1024, 1>}, {transform_indices = @transform_2, window_bounds = array<i64: 1024, 128>}, {transform_indices = @transform_3, window_bounds = array<i64: 1024, 128>}, {pipeline_mode = #tpu.pipeline_mode<synchronous>, transform_indices = @transform_4, window_bounds = array<i64: 1, 128>}, {pipeline_mode = #tpu.pipeline_mode<synchronous>, transform_indices = @transform_5, window_bounds = array<i64: 128, 128>}, {pipeline_mode = #tpu.pipeline_mode<synchronous>, transform_indices = @transform_6, window_bounds = array<i64: 1, 128>}, {pipeline_mode = #tpu.pipeline_mode<synchronous>, transform_indices = @transform_7, window_bounds = array<i64: 1, 128>}, {pipeline_mode = #tpu.pipeline_mode<synchronous>, transform_indices = @transform_8, window_bounds = array<i64: 128, 128>}, {pipeline_mode = #tpu.pipeline_mode<synchronous>, transform_indices = @transform_9, window_bounds = array<i64: 1, 128>}, {pipeline_mode = #tpu.pipeline_mode<synchronous>, transform_indices = @transform_10, window_bounds = array<i64: 128, 128>}, {pipeline_mode = #tpu.pipeline_mode<synchronous>, transform_indices = @transform_11, window_bounds = array<i64: 128, 128>}, {pipeline_mode = #tpu.pipeline_mode<synchronous>, transform_indices = @transform_12, window_bounds = array<i64: 128, 1>}, {transform_indices = @transform_13, window_bounds = array<i64: 1024, 128>}, {transform_indices = @transform_14, window_bounds = array<i64: 1024, 128>}, {transform_indices = @transform_15, window_bounds = array<i64: 128, 1024>}, {transform_indices = @transform_16, window_bounds = array<i64: 128, 1024>}, {transform_indices = @transform_17, window_bounds = array<i64: 256, 1024>}]} {
    %get3A = arith.constant 0 : index
    %get3A_0 = arith.constant 0 : index
    %get3A_1 = vector.load %arg1[%get3A, %get3A_0] : memref<1024x1xf32, #tpu.memory_space<vmem>>, vector<1024x1xf32>
    %get3A_2 = arith.constant 0 : index
    %get3A_3 = arith.constant 0 : index
    %get3A_4 = vector.load %arg2[%get3A_2, %get3A_3] : memref<1024x1xf32, #tpu.memory_space<vmem>>, vector<1024x1xf32>
    %get3A_5 = arith.constant 0 : index
    %get3A_6 = arith.constant 0 : index
    %get3A_7 = vector.load %arg3[%get3A_5, %get3A_6] : memref<1024x128xf32, #tpu.memory_space<vmem>>, vector<1024x128xf32>
    %get3A_8 = arith.constant 0 : index
    %get3A_9 = arith.constant 0 : index
    %get3A_10 = vector.load %arg4[%get3A_8, %get3A_9] : memref<1024x128xf32, #tpu.memory_space<vmem>>, vector<1024x128xf32>
    %get3A_11 = arith.constant 0 : index
    %get3A_12 = arith.constant 0 : index
    %get3A_13 = vector.load %arg5[%get3A_11, %get3A_12] : memref<1x128xf32, #tpu.memory_space<vmem>>, vector<1x128xf32>
    %mul3A = vector.broadcast %get3A_1 : vector<1024x1xf32> to vector<1024x128xf32>
    %mul3A_14 = vector.broadcast %get3A_13 : vector<1x128xf32> to vector<1024x128xf32>
    %mul3A_15 = arith.mulf %mul3A, %mul3A_14 : vector<1024x128xf32>
    %get3A_16 = arith.constant 0 : index
    %get3A_17 = arith.constant 0 : index
    %get3A_18 = vector.load %arg6[%get3A_16, %get3A_17] : memref<128x128xf32, #tpu.memory_space<vmem>>, vector<128x128xf32>
    %dot_general3A = arith.constant dense<0.000000e+00> : vector<1024x128xf32>
    %dot_general3A_19 = tpu.matmul %get3A_7, %get3A_18, %dot_general3A {dimension_numbers = #tpu.dot_dimension_numbers<[1], [0], [0], [1], [0, 0, 1, 1], [], []>, precision = #tpu.contract_precision<fp32>, transpose_lhs_hint = false} : vector<1024x128xf32>, vector<128x128xf32>, vector<1024x128xf32> -> vector<1024x128xf32>
    %add3A = arith.addf %mul3A_15, %dot_general3A_19 : vector<1024x128xf32>
    %get3A_20 = arith.constant 0 : index
    %get3A_21 = arith.constant 0 : index
    %get3A_22 = vector.load %arg7[%get3A_20, %get3A_21] : memref<1x128xf32, #tpu.memory_space<vmem>>, vector<1x128xf32>
    %add3A_23 = vector.broadcast %get3A_22 : vector<1x128xf32> to vector<1024x128xf32>
    %add3A_24 = arith.addf %add3A, %add3A_23 : vector<1024x128xf32>
    %max3A = arith.constant 0.000000e+00 : f32
    %max3A_25 = vector.broadcast %max3A : f32 to vector<1024x128xf32>
    %max3A_26 = arith.maximumf %add3A_24, %max3A_25 : vector<1024x128xf32>
    %get3A_27 = arith.constant 0 : index
    %get3A_28 = arith.constant 0 : index
    %get3A_29 = vector.load %arg8[%get3A_27, %get3A_28] : memref<1x128xf32, #tpu.memory_space<vmem>>, vector<1x128xf32>
    %mul3A_30 = vector.broadcast %get3A_4 : vector<1024x1xf32> to vector<1024x128xf32>
    %mul3A_31 = vector.broadcast %get3A_29 : vector<1x128xf32> to vector<1024x128xf32>
    %mul3A_32 = arith.mulf %mul3A_30, %mul3A_31 : vector<1024x128xf32>
    %get3A_33 = arith.constant 0 : index
    %get3A_34 = arith.constant 0 : index
    %get3A_35 = vector.load %arg9[%get3A_33, %get3A_34] : memref<128x128xf32, #tpu.memory_space<vmem>>, vector<128x128xf32>
    %dot_general3A_36 = arith.constant dense<0.000000e+00> : vector<1024x128xf32>
    %dot_general3A_37 = tpu.matmul %get3A_10, %get3A_35, %dot_general3A_36 {dimension_numbers = #tpu.dot_dimension_numbers<[1], [0], [0], [1], [0, 0, 1, 1], [], []>, precision = #tpu.contract_precision<fp32>, transpose_lhs_hint = false} : vector<1024x128xf32>, vector<128x128xf32>, vector<1024x128xf32> -> vector<1024x128xf32>
    %add3A_38 = arith.addf %mul3A_32, %dot_general3A_37 : vector<1024x128xf32>
    %get3A_39 = arith.constant 0 : index
    %get3A_40 = arith.constant 0 : index
    %get3A_41 = vector.load %arg10[%get3A_39, %get3A_40] : memref<1x128xf32, #tpu.memory_space<vmem>>, vector<1x128xf32>
    %add3A_42 = vector.broadcast %get3A_41 : vector<1x128xf32> to vector<1024x128xf32>
    %add3A_43 = arith.addf %add3A_38, %add3A_42 : vector<1024x128xf32>
    %max3A_44 = arith.constant 0.000000e+00 : f32
    %max3A_45 = vector.broadcast %max3A_44 : f32 to vector<1024x128xf32>
    %max3A_46 = arith.maximumf %add3A_43, %max3A_45 : vector<1024x128xf32>
    %swap3A = arith.constant 0 : index
    %swap3A_47 = arith.constant 0 : index
    %swap3A_48 = vector.load %arg14[%swap3A, %swap3A_47] : memref<1024x128xf32, #tpu.memory_space<vmem>>, vector<1024x128xf32>
    tpu.vector_store %arg14[%swap3A, %swap3A_47], %max3A_26 {strides = array<i32>} : memref<1024x128xf32, #tpu.memory_space<vmem>>, vector<1024x128xf32>,
    %swap3A_49 = arith.constant 0 : index
    %swap3A_50 = arith.constant 0 : index
    %swap3A_51 = vector.load %arg15[%swap3A_49, %swap3A_50] : memref<1024x128xf32, #tpu.memory_space<vmem>>, vector<1024x128xf32>
    tpu.vector_store %arg15[%swap3A_49, %swap3A_50], %max3A_46 {strides = array<i32>} : memref<1024x128xf32, #tpu.memory_space<vmem>>, vector<1024x128xf32>,
    %get3A_52 = arith.constant 0 : index
    %get3A_53 = arith.constant 0 : index
    %get3A_54 = vector.load %arg11[%get3A_52, %get3A_53] : memref<128x128xf32, #tpu.memory_space<vmem>>, vector<128x128xf32>
    %get3A_55 = arith.constant 0 : index
    %get3A_56 = arith.constant 0 : index
    %get3A_57 = vector.load %arg12[%get3A_55, %get3A_56] : memref<128x128xf32, #tpu.memory_space<vmem>>, vector<128x128xf32>
    %get3A_58 = arith.constant 0 : index
    %get3A_59 = arith.constant 0 : index
    %get3A_60 = vector.load %arg13[%get3A_58, %get3A_59] : memref<128x1xf32, #tpu.memory_space<vmem>>, vector<128x1xf32>
    %dot_general3A_61 = arith.constant dense<0.000000e+00> : vector<128x1024xf32>
    %dot_general3A_62 = tpu.matmul %get3A_54, %max3A_26, %dot_general3A_61 {dimension_numbers = #tpu.dot_dimension_numbers<[0], [1], [1], [0], [0, 1, 1, 0], [], []>, precision = #tpu.contract_precision<fp32>, transpose_lhs_hint = false} : vector<128x128xf32>, vector<1024x128xf32>, vector<128x1024xf32> -> vector<128x1024xf32>
    %add3A_63 = vector.broadcast %get3A_60 : vector<128x1xf32> to vector<128x1024xf32>
    %add3A_64 = arith.addf %dot_general3A_62, %add3A_63 : vector<128x1024xf32>
    %swap3A_65 = arith.constant 0 : index
    %swap3A_66 = arith.constant 0 : index
    %swap3A_67 = vector.load %arg16[%swap3A_65, %swap3A_66] : memref<128x1024xf32, #tpu.memory_space<vmem>>, vector<128x1024xf32>
    tpu.vector_store %arg16[%swap3A_65, %swap3A_66], %add3A_64 {strides = array<i32>} : memref<128x1024xf32, #tpu.memory_space<vmem>>, vector<128x1024xf32>,
    %dot_general3A_68 = arith.constant dense<0.000000e+00> : vector<128x1024xf32>
    %dot_general3A_69 = tpu.matmul %get3A_54, %max3A_46, %dot_general3A_68 {dimension_numbers = #tpu.dot_dimension_numbers<[0], [1], [1], [0], [0, 1, 1, 0], [], []>, precision = #tpu.contract_precision<fp32>, transpose_lhs_hint = false} : vector<128x128xf32>, vector<1024x128xf32>, vector<128x1024xf32> -> vector<128x1024xf32>
    %add3A_70 = vector.broadcast %get3A_60 : vector<128x1xf32> to vector<128x1024xf32>
    %add3A_71 = arith.addf %dot_general3A_69, %add3A_70 : vector<128x1024xf32>
    %swap3A_72 = arith.constant 0 : index
    %swap3A_73 = arith.constant 0 : index
    %swap3A_74 = vector.load %arg17[%swap3A_72, %swap3A_73] : memref<128x1024xf32, #tpu.memory_space<vmem>>, vector<128x1024xf32>
    tpu.vector_store %arg17[%swap3A_72, %swap3A_73], %add3A_71 {strides = array<i32>} : memref<128x1024xf32, #tpu.memory_space<vmem>>, vector<128x1024xf32>,
    %dot_general3A_75 = arith.constant dense<0.000000e+00> : vector<128x1024xf32>
    %dot_general3A_76 = tpu.matmul %get3A_57, %max3A_26, %dot_general3A_75 {dimension_numbers = #tpu.dot_dimension_numbers<[0], [1], [1], [0], [0, 1, 1, 0], [], []>, precision = #tpu.contract_precision<fp32>, transpose_lhs_hint = false} : vector<128x128xf32>, vector<1024x128xf32>, vector<128x1024xf32> -> vector<128x1024xf32>
    %dot_general3A_77 = arith.constant dense<0.000000e+00> : vector<128x1024xf32>
    %dot_general3A_78 = tpu.matmul %get3A_57, %max3A_46, %dot_general3A_77 {dimension_numbers = #tpu.dot_dimension_numbers<[0], [1], [1], [0], [0, 1, 1, 0], [], []>, precision = #tpu.contract_precision<fp32>, transpose_lhs_hint = false} : vector<128x128xf32>, vector<1024x128xf32>, vector<128x1024xf32> -> vector<128x1024xf32>
    %concatenate3A = tpu.concatenate %dot_general3A_76, %dot_general3A_78 in 0 : vector<128x1024xf32>, vector<128x1024xf32> -> vector<256x1024xf32>
    %swap3A_79 = arith.constant 0 : index
    %swap3A_80 = arith.constant 0 : index
    %swap3A_81 = vector.load %arg18[%swap3A_79, %swap3A_80] : memref<256x1024xf32, #tpu.memory_space<vmem>>, vector<256x1024xf32>
    tpu.vector_store %arg18[%swap3A_79, %swap3A_80], %concatenate3A {strides = array<i32>} : memref<256x1024xf32, #tpu.memory_space<vmem>>, vector<256x1024xf32>,
    return
  }
  func.func @transform_0(%arg0: i32) -> (i32, i32) {
    %c0_i32 = arith.constant 0 : i32
    %c0_i32_0 = arith.constant 0 : i32
    return %arg0, %c0_i32 : i32, i32
  }
  func.func @transform_1(%arg0: i32) -> (i32, i32) {
    %c0_i32 = arith.constant 0 : i32
    %c0_i32_0 = arith.constant 0 : i32
    return %arg0, %c0_i32 : i32, i32
  }
  func.func @transform_2(%arg0: i32) -> (i32, i32) {
    %c0_i32 = arith.constant 0 : i32
    %c0_i32_0 = arith.constant 0 : i32
    return %arg0, %c0_i32 : i32, i32
  }
  func.func @transform_3(%arg0: i32) -> (i32, i32) {
    %c0_i32 = arith.constant 0 : i32
    %c0_i32_0 = arith.constant 0 : i32
    return %arg0, %c0_i32 : i32, i32
  }
  func.func @transform_4(%arg0: i32) -> (i32, i32) {
    %c0_i32 = arith.constant 0 : i32
    %c0_i32_0 = arith.constant 0 : i32
    %c0_i32_1 = arith.constant 0 : i32
    return %c0_i32, %c0_i32_0 : i32, i32
  }
  func.func @transform_5(%arg0: i32) -> (i32, i32) {
    %c0_i32 = arith.constant 0 : i32
    %c0_i32_0 = arith.constant 0 : i32
    %c0_i32_1 = arith.constant 0 : i32
    return %c0_i32, %c0_i32_0 : i32, i32
  }
  func.func @transform_6(%arg0: i32) -> (i32, i32) {
    %c0_i32 = arith.constant 0 : i32
    %c0_i32_0 = arith.constant 0 : i32
    %c0_i32_1 = arith.constant 0 : i32
    return %c0_i32, %c0_i32_0 : i32, i32
  }
  func.func @transform_7(%arg0: i32) -> (i32, i32) {
    %c0_i32 = arith.constant 0 : i32
    %c0_i32_0 = arith.constant 0 : i32
    %c0_i32_1 = arith.constant 0 : i32
    return %c0_i32, %c0_i32_0 : i32, i32
  }
  func.func @transform_8(%arg0: i32) -> (i32, i32) {
    %c0_i32 = arith.constant 0 : i32
    %c0_i32_0 = arith.constant 0 : i32
    %c0_i32_1 = arith.constant 0 : i32
    return %c0_i32, %c0_i32_0 : i32, i32
  }
  func.func @transform_9(%arg0: i32) -> (i32, i32) {
    %c0_i32 = arith.constant 0 : i32
    %c0_i32_0 = arith.constant 0 : i32
    %c0_i32_1 = arith.constant 0 : i32
    return %c0_i32, %c0_i32_0 : i32, i32
  }
  func.func @transform_10(%arg0: i32) -> (i32, i32) {
    %c0_i32 = arith.constant 0 : i32
    %c0_i32_0 = arith.constant 0 : i32
    %c0_i32_1 = arith.constant 0 : i32
    return %c0_i32, %c0_i32_0 : i32, i32
  }
  func.func @transform_11(%arg0: i32) -> (i32, i32) {
    %c0_i32 = arith.constant 0 : i32
    %c0_i32_0 = arith.constant 0 : i32
    %c0_i32_1 = arith.constant 0 : i32
    return %c0_i32, %c0_i32_0 : i32, i32
  }
  func.func @transform_12(%arg0: i32) -> (i32, i32) {
    %c0_i32 = arith.constant 0 : i32
    %c0_i32_0 = arith.constant 0 : i32
    %c0_i32_1 = arith.constant 0 : i32
    return %c0_i32, %c0_i32_0 : i32, i32
  }
  func.func @transform_13(%arg0: i32) -> (i32, i32) {
    %c0_i32 = arith.constant 0 : i32
    %c0_i32_0 = arith.constant 0 : i32
    return %arg0, %c0_i32 : i32, i32
  }
  func.func @transform_14(%arg0: i32) -> (i32, i32) {
    %c0_i32 = arith.constant 0 : i32
    %c0_i32_0 = arith.constant 0 : i32
    return %arg0, %c0_i32 : i32, i32
  }
  func.func @transform_15(%arg0: i32) -> (i32, i32) {
    %c0_i32 = arith.constant 0 : i32
    %c0_i32_0 = arith.constant 0 : i32
    return %c0_i32, %arg0 : i32, i32
  }
  func.func @transform_16(%arg0: i32) -> (i32, i32) {
    %c0_i32 = arith.constant 0 : i32
    %c0_i32_0 = arith.constant 0 : i32
    return %c0_i32, %arg0 : i32, i32
  }
  func.func @transform_17(%arg0: i32) -> (i32, i32) {
    %c0_i32 = arith.constant 0 : i32
    %c0_i32_0 = arith.constant 0 : i32
    return %c0_i32, %arg0 : i32, i32
  }
}

module attributes {stable_mosaic.version = 14 : i64} {
  func.func @_tc_post_body(%arg0: i32, %arg1: memref<1024x128xf32, #tpu.memory_space<vmem>>, %arg2: memref<1024x128xf32, #tpu.memory_space<vmem>>, %arg3: memref<128x1024xf32, #tpu.memory_space<vmem>>, %arg4: memref<128x1024xf32, #tpu.memory_space<vmem>>, %arg5: memref<256x1024xf32, #tpu.memory_space<vmem>>, %arg6: memref<128x128xf32, #tpu.memory_space<vmem>>, %arg7: memref<128x128xf32, #tpu.memory_space<vmem>>, %arg8: memref<1x128xf32, #tpu.memory_space<vmem>>, %arg9: memref<128x1xf32, #tpu.memory_space<vmem>>, %arg10: memref<128x1xf32, #tpu.memory_space<vmem>>, %arg11: memref<1x1xf32, #tpu.memory_space<vmem>>, %arg12: memref<128x1xf32, #tpu.memory_space<vmem>>, %arg13: memref<128x1xf32, #tpu.memory_space<vmem>>, %arg14: memref<1x1xf32, #tpu.memory_space<vmem>>, %arg15: memref<128x1xf32, #tpu.memory_space<vmem>>, %arg16: memref<1x1xf32, #tpu.memory_space<vmem>>, %arg17: memref<128x1xf32, #tpu.memory_space<vmem>>, %arg18: memref<1x1xf32, #tpu.memory_space<vmem>>, %arg19: memref<1024x128xf32, #tpu.memory_space<vmem>>, %arg20: memref<1024x1xf32, #tpu.memory_space<vmem>>, %arg21: memref<1024x1xf32, #tpu.memory_space<vmem>>, %arg22: memref<1x1xf32, #tpu.memory_space<vmem>>, %arg23: memref<1x1xf32, #tpu.memory_space<vmem>>, %arg24: memref<8x128xf32, #tpu.memory_space<vmem>>, %arg25: memref<8x128xf32, #tpu.memory_space<vmem>>) attributes {dimension_semantics = [#tpu.dimension_semantics<arbitrary>], iteration_bounds = array<i64: 10>, scalar_prefetch = 0 : i64, scratch_operands = 0 : i64, tpu.core_type = #tpu.core_type<tc>, window_params = [{transform_indices = @transform_0, window_bounds = array<i64: 1024, 128>}, {transform_indices = @transform_1, window_bounds = array<i64: 1024, 128>}, {transform_indices = @transform_2, window_bounds = array<i64: 128, 1024>}, {transform_indices = @transform_3, window_bounds = array<i64: 128, 1024>}, {transform_indices = @transform_4, window_bounds = array<i64: 256, 1024>}, {pipeline_mode = #tpu.pipeline_mode<synchronous>, transform_indices = @transform_5, window_bounds = array<i64: 128, 128>}, {pipeline_mode = #tpu.pipeline_mode<synchronous>, transform_indices = @transform_6, window_bounds = array<i64: 128, 128>}, {pipeline_mode = #tpu.pipeline_mode<synchronous>, transform_indices = @transform_7, window_bounds = array<i64: 1, 128>}, {pipeline_mode = #tpu.pipeline_mode<synchronous>, transform_indices = @transform_8, window_bounds = array<i64: 128, 1>}, {pipeline_mode = #tpu.pipeline_mode<synchronous>, transform_indices = @transform_9, window_bounds = array<i64: 128, 1>}, {pipeline_mode = #tpu.pipeline_mode<synchronous>, transform_indices = @transform_10, window_bounds = array<i64: 1, 1>}, {pipeline_mode = #tpu.pipeline_mode<synchronous>, transform_indices = @transform_11, window_bounds = array<i64: 128, 1>}, {pipeline_mode = #tpu.pipeline_mode<synchronous>, transform_indices = @transform_12, window_bounds = array<i64: 128, 1>}, {pipeline_mode = #tpu.pipeline_mode<synchronous>, transform_indices = @transform_13, window_bounds = array<i64: 1, 1>}, {pipeline_mode = #tpu.pipeline_mode<synchronous>, transform_indices = @transform_14, window_bounds = array<i64: 128, 1>}, {pipeline_mode = #tpu.pipeline_mode<synchronous>, transform_indices = @transform_15, window_bounds = array<i64: 1, 1>}, {pipeline_mode = #tpu.pipeline_mode<synchronous>, transform_indices = @transform_16, window_bounds = array<i64: 128, 1>}, {pipeline_mode = #tpu.pipeline_mode<synchronous>, transform_indices = @transform_17, window_bounds = array<i64: 1, 1>}, {transform_indices = @transform_18, window_bounds = array<i64: 1024, 128>}, {transform_indices = @transform_19, window_bounds = array<i64: 1024, 1>}, {transform_indices = @transform_20, window_bounds = array<i64: 1024, 1>}, {pipeline_mode = #tpu.pipeline_mode<synchronous>, transform_indices = @transform_21, window_bounds = array<i64: 1, 1>}, {pipeline_mode = #tpu.pipeline_mode<synchronous>, transform_indices = @transform_22, window_bounds = array<i64: 1, 1>}, {pipeline_mode = #tpu.pipeline_mode<synchronous>, transform_indices = @transform_23, window_bounds = array<i64: 8, 128>}, {pipeline_mode = #tpu.pipeline_mode<synchronous>, transform_indices = @transform_24, window_bounds = array<i64: 8, 128>}]} {
    %get3A = arith.constant 0 : index
    %get3A_0 = arith.constant 0 : index
    %get3A_1 = vector.load %arg1[%get3A, %get3A_0] : memref<1024x128xf32, #tpu.memory_space<vmem>>, vector<1024x128xf32>
    %get3A_2 = arith.constant 0 : index
    %get3A_3 = arith.constant 0 : index
    %get3A_4 = vector.load %arg2[%get3A_2, %get3A_3] : memref<1024x128xf32, #tpu.memory_space<vmem>>, vector<1024x128xf32>
    %get3A_5 = arith.constant 0 : index
    %get3A_6 = arith.constant 0 : index
    %get3A_7 = vector.load %arg5[%get3A_5, %get3A_6] : memref<256x1024xf32, #tpu.memory_space<vmem>>, vector<256x1024xf32>
    %get3A_8 = arith.constant 0 : index
    %get3A_9 = arith.constant 0 : index
    %get3A_10 = vector.load %arg3[%get3A_8, %get3A_9] : memref<128x1024xf32, #tpu.memory_space<vmem>>, vector<128x1024xf32>
    %slice3A = vector.extract_strided_slice %get3A_7 {offsets = [0, 0], sizes = [128, 1024], strides = [1, 1]} : vector<256x1024xf32> to vector<128x1024xf32>
    %add3A = arith.addf %get3A_10, %slice3A : vector<128x1024xf32>
    %max3A = arith.constant 0.000000e+00 : f32
    %max3A_11 = vector.broadcast %max3A : f32 to vector<128x1024xf32>
    %max3A_12 = arith.maximumf %add3A, %max3A_11 : vector<128x1024xf32>
    %get3A_13 = arith.constant 0 : index
    %get3A_14 = arith.constant 0 : index
    %get3A_15 = vector.load %arg4[%get3A_13, %get3A_14] : memref<128x1024xf32, #tpu.memory_space<vmem>>, vector<128x1024xf32>
    %slice3A_16 = vector.extract_strided_slice %get3A_7 {offsets = [128, 0], sizes = [128, 1024], strides = [1, 1]} : vector<256x1024xf32> to vector<128x1024xf32>
    %add3A_17 = arith.addf %get3A_15, %slice3A_16 : vector<128x1024xf32>
    %max3A_18 = arith.constant 0.000000e+00 : f32
    %max3A_19 = vector.broadcast %max3A_18 : f32 to vector<128x1024xf32>
    %max3A_20 = arith.maximumf %add3A_17, %max3A_19 : vector<128x1024xf32>
    %get3A_21 = arith.constant 0 : index
    %get3A_22 = arith.constant 0 : index
    %get3A_23 = vector.load %arg6[%get3A_21, %get3A_22] : memref<128x128xf32, #tpu.memory_space<vmem>>, vector<128x128xf32>
    %get3A_24 = arith.constant 0 : index
    %get3A_25 = arith.constant 0 : index
    %get3A_26 = vector.load %arg7[%get3A_24, %get3A_25] : memref<128x128xf32, #tpu.memory_space<vmem>>, vector<128x128xf32>
    %get3A_27 = arith.constant 0 : index
    %get3A_28 = arith.constant 0 : index
    %get3A_29 = vector.load %arg8[%get3A_27, %get3A_28] : memref<1x128xf32, #tpu.memory_space<vmem>>, vector<1x128xf32>
    %dot_general3A = arith.constant dense<0.000000e+00> : vector<1024x128xf32>
    %dot_general3A_30 = tpu.matmul %get3A_1, %get3A_23, %dot_general3A {dimension_numbers = #tpu.dot_dimension_numbers<[1], [0], [0], [1], [0, 0, 1, 1], [], []>, precision = #tpu.contract_precision<fp32>, transpose_lhs_hint = false} : vector<1024x128xf32>, vector<128x128xf32>, vector<1024x128xf32> -> vector<1024x128xf32>
    %dot_general3A_31 = arith.constant dense<0.000000e+00> : vector<1024x128xf32>
    %dot_general3A_32 = tpu.matmul %max3A_12, %get3A_26, %dot_general3A_31 {dimension_numbers = #tpu.dot_dimension_numbers<[0], [0], [1], [1], [0, 1, 1, 1], [], []>, precision = #tpu.contract_precision<fp32>, transpose_lhs_hint = false} : vector<128x1024xf32>, vector<128x128xf32>, vector<1024x128xf32> -> vector<1024x128xf32>
    %add3A_33 = arith.addf %dot_general3A_30, %dot_general3A_32 : vector<1024x128xf32>
    %add3A_34 = vector.broadcast %get3A_29 : vector<1x128xf32> to vector<1024x128xf32>
    %add3A_35 = arith.addf %add3A_33, %add3A_34 : vector<1024x128xf32>
    %max3A_36 = arith.constant 0.000000e+00 : f32
    %max3A_37 = vector.broadcast %max3A_36 : f32 to vector<1024x128xf32>
    %max3A_38 = arith.maximumf %add3A_35, %max3A_37 : vector<1024x128xf32>
    %dot_general3A_39 = arith.constant dense<0.000000e+00> : vector<1024x128xf32>
    %dot_general3A_40 = tpu.matmul %get3A_4, %get3A_23, %dot_general3A_39 {dimension_numbers = #tpu.dot_dimension_numbers<[1], [0], [0], [1], [0, 0, 1, 1], [], []>, precision = #tpu.contract_precision<fp32>, transpose_lhs_hint = false} : vector<1024x128xf32>, vector<128x128xf32>, vector<1024x128xf32> -> vector<1024x128xf32>
    %dot_general3A_41 = arith.constant dense<0.000000e+00> : vector<1024x128xf32>
    %dot_general3A_42 = tpu.matmul %max3A_20, %get3A_26, %dot_general3A_41 {dimension_numbers = #tpu.dot_dimension_numbers<[0], [0], [1], [1], [0, 1, 1, 1], [], []>, precision = #tpu.contract_precision<fp32>, transpose_lhs_hint = false} : vector<128x1024xf32>, vector<128x128xf32>, vector<1024x128xf32> -> vector<1024x128xf32>
    %add3A_43 = arith.addf %dot_general3A_40, %dot_general3A_42 : vector<1024x128xf32>
    %add3A_44 = vector.broadcast %get3A_29 : vector<1x128xf32> to vector<1024x128xf32>
    %add3A_45 = arith.addf %add3A_43, %add3A_44 : vector<1024x128xf32>
    %max3A_46 = arith.constant 0.000000e+00 : f32
    %max3A_47 = vector.broadcast %max3A_46 : f32 to vector<1024x128xf32>
    %max3A_48 = arith.maximumf %add3A_45, %max3A_47 : vector<1024x128xf32>
    %swap3A = arith.constant 0 : index
    %swap3A_49 = arith.constant 0 : index
    %swap3A_50 = vector.load %arg19[%swap3A, %swap3A_49] : memref<1024x128xf32, #tpu.memory_space<vmem>>, vector<1024x128xf32>
    tpu.vector_store %arg19[%swap3A, %swap3A_49], %max3A_38 {strides = array<i32>} : memref<1024x128xf32, #tpu.memory_space<vmem>>, vector<1024x128xf32>,
    %get3A_51 = arith.constant 0 : index
    %get3A_52 = arith.constant 0 : index
    %get3A_53 = vector.load %arg9[%get3A_51, %get3A_52] : memref<128x1xf32, #tpu.memory_space<vmem>>, vector<128x1xf32>
    %dot_general3A_54 = arith.constant dense<0.000000e+00> : vector<1024x1xf32>
    %dot_general3A_55 = tpu.matmul %get3A_1, %get3A_53, %dot_general3A_54 {dimension_numbers = #tpu.dot_dimension_numbers<[1], [0], [0], [1], [0, 0, 1, 1], [], []>, precision = #tpu.contract_precision<fp32>, transpose_lhs_hint = false} : vector<1024x128xf32>, vector<128x1xf32>, vector<1024x1xf32> -> vector<1024x1xf32>
    %get3A_56 = arith.constant 0 : index
    %get3A_57 = arith.constant 0 : index
    %get3A_58 = vector.load %arg10[%get3A_56, %get3A_57] : memref<128x1xf32, #tpu.memory_space<vmem>>, vector<128x1xf32>
    %dot_general3A_59 = arith.constant dense<0.000000e+00> : vector<1024x1xf32>
    %dot_general3A_60 = tpu.matmul %max3A_38, %get3A_58, %dot_general3A_59 {dimension_numbers = #tpu.dot_dimension_numbers<[1], [0], [0], [1], [0, 0, 1, 1], [], []>, precision = #tpu.contract_precision<fp32>, transpose_lhs_hint = false} : vector<1024x128xf32>, vector<128x1xf32>, vector<1024x1xf32> -> vector<1024x1xf32>
    %add3A_61 = arith.addf %dot_general3A_55, %dot_general3A_60 : vector<1024x1xf32>
    %get3A_62 = arith.constant 0 : index
    %get3A_63 = arith.constant 0 : index
    %get3A_64 = vector.load %arg11[%get3A_62, %get3A_63] : memref<1x1xf32, #tpu.memory_space<vmem>>, vector<1x1xf32>
    %add3A_65 = vector.broadcast %get3A_64 : vector<1x1xf32> to vector<1024x1xf32>
    %add3A_66 = arith.addf %add3A_61, %add3A_65 : vector<1024x1xf32>
    %swap3A_67 = arith.constant 0 : index
    %swap3A_68 = arith.constant 0 : index
    %swap3A_69 = vector.load %arg20[%swap3A_67, %swap3A_68] : memref<1024x1xf32, #tpu.memory_space<vmem>>, vector<1024x1xf32>
    tpu.vector_store %arg20[%swap3A_67, %swap3A_68], %add3A_66 {strides = array<i32>} : memref<1024x1xf32, #tpu.memory_space<vmem>>, vector<1024x1xf32>,
    %get3A_70 = arith.constant 0 : index
    %get3A_71 = arith.constant 0 : index
    %get3A_72 = vector.load %arg12[%get3A_70, %get3A_71] : memref<128x1xf32, #tpu.memory_space<vmem>>, vector<128x1xf32>
    %dot_general3A_73 = arith.constant dense<0.000000e+00> : vector<1024x1xf32>
    %dot_general3A_74 = tpu.matmul %get3A_4, %get3A_72, %dot_general3A_73 {dimension_numbers = #tpu.dot_dimension_numbers<[1], [0], [0], [1], [0, 0, 1, 1], [], []>, precision = #tpu.contract_precision<fp32>, transpose_lhs_hint = false} : vector<1024x128xf32>, vector<128x1xf32>, vector<1024x1xf32> -> vector<1024x1xf32>
    %get3A_75 = arith.constant 0 : index
    %get3A_76 = arith.constant 0 : index
    %get3A_77 = vector.load %arg13[%get3A_75, %get3A_76] : memref<128x1xf32, #tpu.memory_space<vmem>>, vector<128x1xf32>
    %dot_general3A_78 = arith.constant dense<0.000000e+00> : vector<1024x1xf32>
    %dot_general3A_79 = tpu.matmul %max3A_48, %get3A_77, %dot_general3A_78 {dimension_numbers = #tpu.dot_dimension_numbers<[1], [0], [0], [1], [0, 0, 1, 1], [], []>, precision = #tpu.contract_precision<fp32>, transpose_lhs_hint = false} : vector<1024x128xf32>, vector<128x1xf32>, vector<1024x1xf32> -> vector<1024x1xf32>
    %add3A_80 = arith.addf %dot_general3A_74, %dot_general3A_79 : vector<1024x1xf32>
    %get3A_81 = arith.constant 0 : index
    %get3A_82 = arith.constant 0 : index
    %get3A_83 = vector.load %arg14[%get3A_81, %get3A_82] : memref<1x1xf32, #tpu.memory_space<vmem>>, vector<1x1xf32>
    %add3A_84 = vector.broadcast %get3A_83 : vector<1x1xf32> to vector<1024x1xf32>
    %add3A_85 = arith.addf %add3A_80, %add3A_84 : vector<1024x1xf32>
    %swap3A_86 = arith.constant 0 : index
    %swap3A_87 = arith.constant 0 : index
    %swap3A_88 = vector.load %arg21[%swap3A_86, %swap3A_87] : memref<1024x1xf32, #tpu.memory_space<vmem>>, vector<1024x1xf32>
    tpu.vector_store %arg21[%swap3A_86, %swap3A_87], %add3A_85 {strides = array<i32>} : memref<1024x1xf32, #tpu.memory_space<vmem>>, vector<1024x1xf32>,
    %mul3A = arith.constant 1024 : i32
    %mul3A_89 = arith.muli %arg0, %mul3A : i32
    %sub3A = arith.constant 10000 : i32
    %sub3A_90 = arith.subi %sub3A, %mul3A_89 : i32
    %min3A = arith.constant 1024 : i32
    %min3A_91 = arith.minsi %sub3A_90, %min3A : i32
    %iota3A = tpu.iota {dimensions = array<i32: 0>} : vector<1024x1xi32>
    %lt3A = vector.broadcast %min3A_91 : i32 to vector<1024x1xi32>
    %lt3A_92 = arith.cmpi slt, %iota3A, %lt3A : vector<1024x1xi32>
    %jit3A = arith.constant 0.000000e+00 : f32
    %broadcast_in_dim3A = vector.shape_cast %lt3A_92 : vector<1024x1xi1> to vector<1024x1xi1>
    %broadcast_in_dim3A_93 = vector.broadcast %broadcast_in_dim3A : vector<1024x1xi1> to vector<1024x128xi1>
    %broadcast_in_dim3A_94 = vector.broadcast %jit3A : f32 to vector<1024x128xf32>
    %select_n3A = arith.select %broadcast_in_dim3A_93, %max3A_38, %broadcast_in_dim3A_94 : vector<1024x128xi1>, vector<1024x128xf32>
    %reduce_sum3A = arith.constant dense<0.000000e+00> : vector<128xf32>
    %reduce_sum3A_95 = vector.multi_reduction <add>, %select_n3A, %reduce_sum3A [0] : vector<1024x128xf32> to vector<128xf32>
    %broadcast_in_dim3A_96 = vector.shape_cast %reduce_sum3A_95 : vector<128xf32> to vector<1x128xf32>
    %jit3A_97 = arith.constant 0.000000e+00 : f32
    %broadcast_in_dim3A_98 = vector.shape_cast %lt3A_92 : vector<1024x1xi1> to vector<1024x1xi1>
    %broadcast_in_dim3A_99 = vector.broadcast %broadcast_in_dim3A_98 : vector<1024x1xi1> to vector<1024x128xi1>
    %broadcast_in_dim3A_100 = vector.broadcast %jit3A_97 : f32 to vector<1024x128xf32>
    %select_n3A_101 = arith.select %broadcast_in_dim3A_99, %max3A_48, %broadcast_in_dim3A_100 : vector<1024x128xi1>, vector<1024x128xf32>
    %reduce_sum3A_102 = arith.constant dense<0.000000e+00> : vector<128xf32>
    %reduce_sum3A_103 = vector.multi_reduction <add>, %select_n3A_101, %reduce_sum3A_102 [0] : vector<1024x128xf32> to vector<128xf32>
    %broadcast_in_dim3A_104 = vector.shape_cast %reduce_sum3A_103 : vector<128xf32> to vector<1x128xf32>
    %broadcast_in_dim3A_105 = arith.constant 0.000000e+00 : f32
    %broadcast_in_dim3A_106 = vector.broadcast %broadcast_in_dim3A_105 : f32 to vector<7x128xf32>
    %concatenate3A = tpu.concatenate %broadcast_in_dim3A_96, %broadcast_in_dim3A_106 in 0 : vector<1x128xf32>, vector<7x128xf32> -> vector<8x128xf32>
    %concatenate3A_107 = tpu.concatenate %broadcast_in_dim3A_104, %broadcast_in_dim3A_106 in 0 : vector<1x128xf32>, vector<7x128xf32> -> vector<8x128xf32>
    %eq3A = arith.constant 0 : i32
    %eq3A_108 = arith.cmpi eq, %arg0, %eq3A : i32
    %convert_element_type3A = arith.extui %eq3A_108 : i1 to i32
    %cond3A = arith.constant 0 : i32
    %cond3A_109 = arith.cmpi ne, %convert_element_type3A, %cond3A : i32
    scf.if %cond3A_109 {
      %broadcast_in_dim3A_129 = arith.constant 0.000000e+00 : f32
      %broadcast_in_dim3A_130 = vector.broadcast %broadcast_in_dim3A_129 : f32 to vector<8x128xf32>
      %swap3A_131 = arith.constant 0 : index
      %swap3A_132 = arith.constant 0 : index
      %swap3A_133 = vector.load %arg24[%swap3A_131, %swap3A_132] : memref<8x128xf32, #tpu.memory_space<vmem>>, vector<8x128xf32>
      tpu.vector_store %arg24[%swap3A_131, %swap3A_132], %broadcast_in_dim3A_130 {strides = array<i32>} : memref<8x128xf32, #tpu.memory_space<vmem>>, vector<8x128xf32>,
      %broadcast_in_dim3A_134 = arith.constant 0.000000e+00 : f32
      %broadcast_in_dim3A_135 = vector.broadcast %broadcast_in_dim3A_134 : f32 to vector<8x128xf32>
      %swap3A_136 = arith.constant 0 : index
      %swap3A_137 = arith.constant 0 : index
      %swap3A_138 = vector.load %arg25[%swap3A_136, %swap3A_137] : memref<8x128xf32, #tpu.memory_space<vmem>>, vector<8x128xf32>
      tpu.vector_store %arg25[%swap3A_136, %swap3A_137], %broadcast_in_dim3A_135 {strides = array<i32>} : memref<8x128xf32, #tpu.memory_space<vmem>>, vector<8x128xf32>,
    } else {
    }
    %get3A_110 = arith.constant 0 : index
    %get3A_111 = arith.constant 0 : index
    %get3A_112 = vector.load %arg24[%get3A_110, %get3A_111] : memref<8x128xf32, #tpu.memory_space<vmem>>, vector<8x128xf32>
    %add3A_113 = arith.addf %get3A_112, %concatenate3A : vector<8x128xf32>
    %swap3A_114 = arith.constant 0 : index
    %swap3A_115 = arith.constant 0 : index
    %swap3A_116 = vector.load %arg24[%swap3A_114, %swap3A_115] : memref<8x128xf32, #tpu.memory_space<vmem>>, vector<8x128xf32>
    tpu.vector_store %arg24[%swap3A_114, %swap3A_115], %add3A_113 {strides = array<i32>} : memref<8x128xf32, #tpu.memory_space<vmem>>, vector<8x128xf32>,
    %get3A_117 = arith.constant 0 : index
    %get3A_118 = arith.constant 0 : index
    %get3A_119 = vector.load %arg25[%get3A_117, %get3A_118] : memref<8x128xf32, #tpu.memory_space<vmem>>, vector<8x128xf32>
    %add3A_120 = arith.addf %get3A_119, %concatenate3A_107 : vector<8x128xf32>
    %swap3A_121 = arith.constant 0 : index
    %swap3A_122 = arith.constant 0 : index
    %swap3A_123 = vector.load %arg25[%swap3A_121, %swap3A_122] : memref<8x128xf32, #tpu.memory_space<vmem>>, vector<8x128xf32>
    tpu.vector_store %arg25[%swap3A_121, %swap3A_122], %add3A_120 {strides = array<i32>} : memref<8x128xf32, #tpu.memory_space<vmem>>, vector<8x128xf32>,
    %eq3A_124 = arith.constant 9 : i32
    %eq3A_125 = arith.cmpi eq, %arg0, %eq3A_124 : i32
    %convert_element_type3A_126 = arith.extui %eq3A_125 : i1 to i32
    %cond3A_127 = arith.constant 0 : i32
    %cond3A_128 = arith.cmpi ne, %convert_element_type3A_126, %cond3A_127 : i32
    scf.if %cond3A_128 {
      %get3A_129 = arith.constant 0 : index
      %get3A_130 = arith.constant 0 : index
      %get3A_131 = vector.load %arg24[%get3A_129, %get3A_130] : memref<8x128xf32, #tpu.memory_space<vmem>>, vector<1x128xf32>
      %mul3A_132 = arith.constant 9.99999974E-5 : f32
      %mul3A_133 = vector.broadcast %mul3A_132 : f32 to vector<1x128xf32>
      %mul3A_134 = arith.mulf %get3A_131, %mul3A_133 : vector<1x128xf32>
      %get3A_135 = arith.constant 0 : index
      %get3A_136 = arith.constant 0 : index
      %get3A_137 = vector.load %arg25[%get3A_135, %get3A_136] : memref<8x128xf32, #tpu.memory_space<vmem>>, vector<1x128xf32>
      %mul3A_138 = arith.constant 9.99999974E-5 : f32
      %mul3A_139 = vector.broadcast %mul3A_138 : f32 to vector<1x128xf32>
      %mul3A_140 = arith.mulf %get3A_137, %mul3A_139 : vector<1x128xf32>
      %get3A_141 = arith.constant 0 : index
      %get3A_142 = arith.constant 0 : index
      %get3A_143 = vector.load %arg15[%get3A_141, %get3A_142] : memref<128x1xf32, #tpu.memory_space<vmem>>, vector<128x1xf32>
      %dot_general3A_144 = arith.constant dense<0.000000e+00> : vector<1x1xf32>
      %dot_general3A_145 = tpu.matmul %mul3A_134, %get3A_143, %dot_general3A_144 {dimension_numbers = #tpu.dot_dimension_numbers<[1], [0], [0], [1], [0, 0, 1, 1], [], []>, precision = #tpu.contract_precision<fp32>, transpose_lhs_hint = false} : vector<1x128xf32>, vector<128x1xf32>, vector<1x1xf32> -> vector<1x1xf32>
      %get3A_146 = arith.constant 0 : index
      %get3A_147 = arith.constant 0 : index
      %get3A_148 = vector.load %arg16[%get3A_146, %get3A_147] : memref<1x1xf32, #tpu.memory_space<vmem>>, vector<1x1xf32>
      %add3A_149 = arith.addf %dot_general3A_145, %get3A_148 : vector<1x1xf32>
      %logistic3A = arith.negf %add3A_149 : vector<1x1xf32>
      %logistic3A_150 = math.exp %logistic3A : vector<1x1xf32>
      %logistic3A_151 = arith.constant 1.000000e+00 : f32
      %logistic3A_152 = vector.broadcast %logistic3A_151 : f32 to vector<1x1xf32>
      %logistic3A_153 = arith.addf %logistic3A_152, %logistic3A_150 : vector<1x1xf32>
      %logistic3A_154 = arith.divf %logistic3A_152, %logistic3A_153 : vector<1x1xf32>
      %swap3A_155 = arith.constant 0 : index
      %swap3A_156 = arith.constant 0 : index
      %swap3A_157 = vector.load %arg22[%swap3A_155, %swap3A_156] : memref<1x1xf32, #tpu.memory_space<vmem>>, vector<1x1xf32>
      tpu.vector_store %arg22[%swap3A_155, %swap3A_156], %logistic3A_154 {strides = array<i32>} : memref<1x1xf32, #tpu.memory_space<vmem>>, vector<1x1xf32>,
      %get3A_158 = arith.constant 0 : index
      %get3A_159 = arith.constant 0 : index
      %get3A_160 = vector.load %arg17[%get3A_158, %get3A_159] : memref<128x1xf32, #tpu.memory_space<vmem>>, vector<128x1xf32>
      %dot_general3A_161 = arith.constant dense<0.000000e+00> : vector<1x1xf32>
      %dot_general3A_162 = tpu.matmul %mul3A_140, %get3A_160, %dot_general3A_161 {dimension_numbers = #tpu.dot_dimension_numbers<[1], [0], [0], [1], [0, 0, 1, 1], [], []>, precision = #tpu.contract_precision<fp32>, transpose_lhs_hint = false} : vector<1x128xf32>, vector<128x1xf32>, vector<1x1xf32> -> vector<1x1xf32>
      %get3A_163 = arith.constant 0 : index
      %get3A_164 = arith.constant 0 : index
      %get3A_165 = vector.load %arg18[%get3A_163, %get3A_164] : memref<1x1xf32, #tpu.memory_space<vmem>>, vector<1x1xf32>
      %add3A_166 = arith.addf %dot_general3A_162, %get3A_165 : vector<1x1xf32>
      %logistic3A_167 = arith.negf %add3A_166 : vector<1x1xf32>
      %logistic3A_168 = math.exp %logistic3A_167 : vector<1x1xf32>
      %logistic3A_169 = arith.constant 1.000000e+00 : f32
      %logistic3A_170 = vector.broadcast %logistic3A_169 : f32 to vector<1x1xf32>
      %logistic3A_171 = arith.addf %logistic3A_170, %logistic3A_168 : vector<1x1xf32>
      %logistic3A_172 = arith.divf %logistic3A_170, %logistic3A_171 : vector<1x1xf32>
      %swap3A_173 = arith.constant 0 : index
      %swap3A_174 = arith.constant 0 : index
      %swap3A_175 = vector.load %arg23[%swap3A_173, %swap3A_174] : memref<1x1xf32, #tpu.memory_space<vmem>>, vector<1x1xf32>
      tpu.vector_store %arg23[%swap3A_173, %swap3A_174], %logistic3A_172 {strides = array<i32>} : memref<1x1xf32, #tpu.memory_space<vmem>>, vector<1x1xf32>,
    } else {
    }
    return
  }
  func.func @transform_0(%arg0: i32) -> (i32, i32) {
    %c0_i32 = arith.constant 0 : i32
    %c0_i32_0 = arith.constant 0 : i32
    return %arg0, %c0_i32 : i32, i32
  }
  func.func @transform_1(%arg0: i32) -> (i32, i32) {
    %c0_i32 = arith.constant 0 : i32
    %c0_i32_0 = arith.constant 0 : i32
    return %arg0, %c0_i32 : i32, i32
  }
  func.func @transform_2(%arg0: i32) -> (i32, i32) {
    %c0_i32 = arith.constant 0 : i32
    %c0_i32_0 = arith.constant 0 : i32
    return %c0_i32, %arg0 : i32, i32
  }
  func.func @transform_3(%arg0: i32) -> (i32, i32) {
    %c0_i32 = arith.constant 0 : i32
    %c0_i32_0 = arith.constant 0 : i32
    return %c0_i32, %arg0 : i32, i32
  }
  func.func @transform_4(%arg0: i32) -> (i32, i32) {
    %c0_i32 = arith.constant 0 : i32
    %c0_i32_0 = arith.constant 0 : i32
    return %c0_i32, %arg0 : i32, i32
  }
  func.func @transform_5(%arg0: i32) -> (i32, i32) {
    %c0_i32 = arith.constant 0 : i32
    %c0_i32_0 = arith.constant 0 : i32
    %c0_i32_1 = arith.constant 0 : i32
    return %c0_i32, %c0_i32_0 : i32, i32
  }
  func.func @transform_6(%arg0: i32) -> (i32, i32) {
    %c0_i32 = arith.constant 0 : i32
    %c0_i32_0 = arith.constant 0 : i32
    %c0_i32_1 = arith.constant 0 : i32
    return %c0_i32, %c0_i32_0 : i32, i32
  }
  func.func @transform_7(%arg0: i32) -> (i32, i32) {
    %c0_i32 = arith.constant 0 : i32
    %c0_i32_0 = arith.constant 0 : i32
    %c0_i32_1 = arith.constant 0 : i32
    return %c0_i32, %c0_i32_0 : i32, i32
  }
  func.func @transform_8(%arg0: i32) -> (i32, i32) {
    %c0_i32 = arith.constant 0 : i32
    %c0_i32_0 = arith.constant 0 : i32
    %c0_i32_1 = arith.constant 0 : i32
    return %c0_i32, %c0_i32_0 : i32, i32
  }
  func.func @transform_9(%arg0: i32) -> (i32, i32) {
    %c0_i32 = arith.constant 0 : i32
    %c0_i32_0 = arith.constant 0 : i32
    %c0_i32_1 = arith.constant 0 : i32
    return %c0_i32, %c0_i32_0 : i32, i32
  }
  func.func @transform_10(%arg0: i32) -> (i32, i32) {
    %c0_i32 = arith.constant 0 : i32
    %c0_i32_0 = arith.constant 0 : i32
    %c0_i32_1 = arith.constant 0 : i32
    return %c0_i32, %c0_i32_0 : i32, i32
  }
  func.func @transform_11(%arg0: i32) -> (i32, i32) {
    %c0_i32 = arith.constant 0 : i32
    %c0_i32_0 = arith.constant 0 : i32
    %c0_i32_1 = arith.constant 0 : i32
    return %c0_i32, %c0_i32_0 : i32, i32
  }
  func.func @transform_12(%arg0: i32) -> (i32, i32) {
    %c0_i32 = arith.constant 0 : i32
    %c0_i32_0 = arith.constant 0 : i32
    %c0_i32_1 = arith.constant 0 : i32
    return %c0_i32, %c0_i32_0 : i32, i32
  }
  func.func @transform_13(%arg0: i32) -> (i32, i32) {
    %c0_i32 = arith.constant 0 : i32
    %c0_i32_0 = arith.constant 0 : i32
    %c0_i32_1 = arith.constant 0 : i32
    return %c0_i32, %c0_i32_0 : i32, i32
  }
  func.func @transform_14(%arg0: i32) -> (i32, i32) {
    %c0_i32 = arith.constant 0 : i32
    %c0_i32_0 = arith.constant 0 : i32
    %c0_i32_1 = arith.constant 0 : i32
    return %c0_i32, %c0_i32_0 : i32, i32
  }
  func.func @transform_15(%arg0: i32) -> (i32, i32) {
    %c0_i32 = arith.constant 0 : i32
    %c0_i32_0 = arith.constant 0 : i32
    %c0_i32_1 = arith.constant 0 : i32
    return %c0_i32, %c0_i32_0 : i32, i32
  }
  func.func @transform_16(%arg0: i32) -> (i32, i32) {
    %c0_i32 = arith.constant 0 : i32
    %c0_i32_0 = arith.constant 0 : i32
    %c0_i32_1 = arith.constant 0 : i32
    return %c0_i32, %c0_i32_0 : i32, i32
  }
  func.func @transform_17(%arg0: i32) -> (i32, i32) {
    %c0_i32 = arith.constant 0 : i32
    %c0_i32_0 = arith.constant 0 : i32
    %c0_i32_1 = arith.constant 0 : i32
    return %c0_i32, %c0_i32_0 : i32, i32
  }
  func.func @transform_18(%arg0: i32) -> (i32, i32) {
    %c0_i32 = arith.constant 0 : i32
    %c0_i32_0 = arith.constant 0 : i32
    return %arg0, %c0_i32 : i32, i32
  }
  func.func @transform_19(%arg0: i32) -> (i32, i32) {
    %c0_i32 = arith.constant 0 : i32
    %c0_i32_0 = arith.constant 0 : i32
    return %arg0, %c0_i32 : i32, i32
  }
  func.func @transform_20(%arg0: i32) -> (i32, i32) {
    %c0_i32 = arith.constant 0 : i32
    %c0_i32_0 = arith.constant 0 : i32
    return %arg0, %c0_i32 : i32, i32
  }
  func.func @transform_21(%arg0: i32) -> (i32, i32) {
    %c0_i32 = arith.constant 0 : i32
    %c0_i32_0 = arith.constant 0 : i32
    %c0_i32_1 = arith.constant 0 : i32
    return %c0_i32, %c0_i32_0 : i32, i32
  }
  func.func @transform_22(%arg0: i32) -> (i32, i32) {
    %c0_i32 = arith.constant 0 : i32
    %c0_i32_0 = arith.constant 0 : i32
    %c0_i32_1 = arith.constant 0 : i32
    return %c0_i32, %c0_i32_0 : i32, i32
  }
  func.func @transform_23(%arg0: i32) -> (i32, i32) {
    %c0_i32 = arith.constant 0 : i32
    %c0_i32_0 = arith.constant 0 : i32
    %c0_i32_1 = arith.constant 0 : i32
    return %c0_i32, %c0_i32_0 : i32, i32
  }
  func.func @transform_24(%arg0: i32) -> (i32, i32) {
    %c0_i32 = arith.constant 0 : i32
    %c0_i32_0 = arith.constant 0 : i32
    %c0_i32_1 = arith.constant 0 : i32
    return %c0_i32, %c0_i32_0 : i32, i32
  }
}

</mosaic_0001>

<sc_bundles>
// kernel: kernel.5.cloned.1.call-start
scs
__scs_entry_jumppad:
0x0: {  	(pc) =	sbr.rel $0x88, $3  }
0x1: {  	(tag) =	ssettag $0x0;
	lr =	simm.s32 $0x1  }
0x2: {  	[smem:$0x3F8B] =	sst lr;
	_ =	strace $0xD0000000  }
0x3: {  	_ = 	snop  }
0x4: {  	_ = 	snop  }
0x5: {  	_ = 	snop  }
0x6: {  	_ = 	snop  }
0x7: {  	_ = 	snop  }
__scs_overlays_trampoline_lowered:
0x8: {  	[smem:$0x3F9A] =	sst s0  }
0x9: {  	[smem:$0x3F9B] =	sst s1  }
0xa: {  	[smem:$0x3F9C] =	sst s2  }
0xb: {  	[smem:$0x3F9D] =	sst s3  }
0xc: {  	[smem:$0x3F9E] =	sst s4  }
0xd: {  	[smem:$0x3F9F] =	sst s5  }
0xe: {  	[smem:$0x3FA0] =	sst s6  }
0xf: {  	[smem:$0x3FA1] =	sst s7  }
0x10: {  	[smem:$0x3FA2] =	sst s8  }
0x11: {  	[smem:$0x3FA3] =	sst s9;
	s0 =	simm.s32 @!p0 $0x0  }
0x12: {  	s1 =	sld [smem:$0x3F89];
	s0 =	simm.s32 @p0 $0x1  }
0x13: {  	[smem:$0x3FA4] =	sst s0;
	s0 =	simm.s32 @!p1 $0x0  }
0x14: {  	s2 =	sld [smem:$0x3F88];
	s0 =	simm.s32 @p1 $0x1  }
0x15: {  	[smem:$0x3FA5] =	sst s0;
	s0 =	simm.s32 @!p2 $0x0  }
0x16: {  	s3 =	sld [smem:$0x3FDB];
	s0 =	simm.s32 @p2 $0x1  }
0x17: {  	s4 =	simm.s32 $0x1BF5;
	[smem:$0x3FA7] =	sst s0  }
0x18: {  	s0 =	sld [smem:$0x3F8A];
	_ =	swait.ge [sflag:s4], $0x0  }
0x19: {  	s7 =	sld [smem:$0x3F8B]  }
0x1a: {  	s8 =	sadd.s32 $0xFFFFE003, lr  }
0x1b: {  	s9 =	sadd.s32 $0xFFFFFEF7, lr;
	s5 =	simm.s32 $0xFFFFFFFF;
	p2 =	slt.u32 s8, $0xFFFFF086  }
0x1c: {  	p1 =	slt.u32 s9, $0xF7A;
	s5 =	simm.s32 @!p2 $0x0  }
0x1d: {  	s5 =	simm.s32 @p1 $0x1;
	p0 =	seq.s32 s7, s2  }
0x1e: {  	s7 =	smul.u32 @!p0 $0xF7A, s2;
	p2 =	seq.s32 @!p0 s5, $0x0  }
0x1f: {  	s9 =	smul.u32 $0xF7A, s1;
	s8 =	simm.s32 @!p0 $0x1BF5;
	p2 =	por !p2, p0  }
0x20: {  	[sflag:s8] =	ssyncset.s32 @!p0 $0xFFFFF086;
	s6 =	sadd.s32 @!p0 s3, s7;
	s7 =	simm.s32 @!p0 $0x108  }
0x21: {  	s3 =	sadd.s32 s3, s9;
	s6 =	sadd.s32 @!p0 $0x88, s6;
	s7 =	simm.s32 @p2 $0x1082  }
0x22: {  	[simem:s7], [sflag:s8] =	dma.local @!p0 [hbm:s6], $0xF7A  }
0x23: {  	s9 =	sor.u32 $0xD0000000, s2;
	s6 =	simm.s32 $0x108;
	_ =	swait.ge @!p0 [sflag:s8], $0x0  }
0x24: {  	s3 =	sadd.s32 $0x88, s3;
	s6 =	simm.s32 @!p1 $0x1082;
	[sflag:s4] =	ssyncset.s32 $0xFFFFF086  }
0x25: {  	[simem:s6], [sflag:s4] =	dma.local [hbm:s3], $0xF7A  }
0x26: {  	[smem:$0x3F8B] =	sst s1;
	(tag) =	ssettag s2;
	_ =	strace s9  }
0x27: {  	s1 =	sld [smem:$0x3F9B]  }
0x28: {  	s2 =	sld [smem:$0x3F9C]  }
0x29: {  	s4 =	sld [smem:$0x3F9E]  }
0x2a: {  	p0 =	seq.s32 s5, $0x0;
	s5 =	sld [smem:$0x3F9F]  }
0x2b: {  	s6 =	sld [smem:$0x3FA0]  }
0x2c: {  	s7 =	sld [smem:$0x3FA1]  }
0x2d: {  	s3 =	simm.s32 $0x108;
	s8 =	sld [smem:$0x3FA2]  }
0x2e: {  	s3 =	simm.s32 @!p0 $0x1082;
	s9 =	sld [smem:$0x3FA3]  }
0x2f: {  	lr =	sadd.s32 s0, s3;
	s0 =	sld [smem:$0x3F9A]  }
0x30: {  	s3 =	sld [smem:$0x3F9D]  }
0x31: {  	[smem:$0x3FA6] =	sst s10  }
0x32: {  	s10 =	sld [smem:$0x3FA4];
	_ =	sdelay $0x3  }
0x33: {  	p0 =	seq.s32 s10, $0x1;
	s10 =	sld [smem:$0x3FA6];
	_ =	sdelay $0x3  }
0x34: {  	[smem:$0x3FA6] =	sst s10  }
0x35: {  	s10 =	sld [smem:$0x3FA5];
	_ =	sdelay $0x3  }
0x36: {  	p1 =	seq.s32 s10, $0x1;
	s10 =	sld [smem:$0x3FA6];
	_ =	sdelay $0x3  }
0x37: {  	[smem:$0x3FA6] =	sst s10  }
0x38: {  	s10 =	sld [smem:$0x3FA7]  }
0x39: {  	_ = 	snop;
	(pc) =	sbr.ind lr, $3  }
0x3a: {  	_ = 	snop  }
0x3b: {  	_ = 	snop  }
0x3c: {  	p2 =	seq.s32 s10, $0x1;
	s10 =	sld [smem:$0x3FA6]  }
0x3d: {  	_ =	shalt  }
0x3e: {  	_ =	shalt  }
0x3f: {  	_ =	shalt  }
0x40: {  	_ =	shalt  }
0x41: {  	_ =	shalt  }
0x42: {  	_ =	shalt  }
0x43: {  	_ =	shalt  }
0x44: {  	_ =	shalt  }
0x45: {  	_ =	shalt  }
0x46: {  	_ =	shalt  }
0x47: {  	_ =	shalt  }
0x48: {  	_ =	shalt  }
0x49: {  	_ =	shalt  }
0x4a: {  	_ =	shalt  }
0x4b: {  	_ =	shalt  }
0x4c: {  	_ =	shalt  }
0x4d: {  	_ =	shalt  }
0x4e: {  	_ =	shalt  }
0x4f: {  	_ =	shalt  }
0x50: {  	_ =	shalt  }
0x51: {  	_ =	shalt  }
0x52: {  	_ =	shalt  }
0x53: {  	_ =	shalt  }
0x54: {  	_ =	shalt  }
0x55: {  	_ =	shalt  }
0x56: {  	_ =	shalt  }
0x57: {  	_ =	shalt  }
0x58: {  	_ =	shalt  }
0x59: {  	_ =	shalt  }
0x5a: {  	_ =	shalt  }
0x5b: {  	_ =	shalt  }
0x5c: {  	_ =	shalt  }
0x5d: {  	_ =	shalt  }
0x5e: {  	_ =	shalt  }
0x5f: {  	_ =	shalt  }
0x60: {  	_ =	shalt  }
0x61: {  	_ =	shalt  }
0x62: {  	_ =	shalt  }
0x63: {  	_ =	shalt  }
0x64: {  	_ =	shalt  }
0x65: {  	_ =	shalt  }
0x66: {  	_ =	shalt  }
0x67: {  	_ =	shalt  }
0x68: {  	_ =	shalt  }
0x69: {  	_ =	shalt  }
0x6a: {  	_ =	shalt  }
0x6b: {  	_ =	shalt  }
0x6c: {  	_ =	shalt  }
0x6d: {  	_ =	shalt  }
0x6e: {  	_ =	shalt  }
0x6f: {  	_ =	shalt  }
0x70: {  	_ =	shalt  }
0x71: {  	_ =	shalt  }
0x72: {  	_ =	shalt  }
0x73: {  	_ =	shalt  }
0x74: {  	_ =	shalt  }
0x75: {  	_ =	shalt  }
0x76: {  	_ =	shalt  }
0x77: {  	_ =	shalt  }
0x78: {  	_ =	shalt  }
0x79: {  	_ =	shalt  }
0x7a: {  	_ =	shalt  }
0x7b: {  	_ =	shalt  }
0x7c: {  	_ =	shalt  }
0x7d: {  	_ =	shalt  }
0x7e: {  	_ =	shalt  }
0x7f: {  	_ =	shalt  }
0x80: {  	_ =	shalt  }
0x81: {  	_ =	shalt  }
0x82: {  	_ =	shalt  }
0x83: {  	_ =	shalt  }
0x84: {  	_ =	shalt  }
0x85: {  	_ =	shalt  }
0x86: {  	_ =	shalt  }
0x87: {  	_ =	shalt  }
.Lfunc_end0:
.L_simem_size_0:
called_computation_lowered:
.L_overlay_start_0:
0x88: {  	s2 =	sld [smem:$0x3FD9]  }
0x89: {  	s3 =	sld [smem:$0x3FFE];
	_ =	sdelay $0x1  }
0x8a: {  	s1 =	srdreg.scid  }
0x8b: {  	s0 =	sand.u32 $0x1, s1  }
0x8c: {  	s14 =	sshll.u32 s0, $0xA;
	s2 =	sadd.s32 s3, s2  }
0x8d: {  	s2 =	sadd.s32 s2, s14  }
0x8e: {  	[smem:$0x3FB2] =	sst s2  }
0x8f: {  	_ = 	snop  }
0x90: {  	s2 =	sld [smem:$0x3FD0];
	_ =	sdelay $0x2  }
0x91: {  	s15 =	simm.s32 $0xA;
	s4 =	simm.s32 $0x10  }
0x92: {  	[smem:s4], [sflag:s15] =	dma.local [hbm:s2], $0x1  }
0x93: {  	_ =	swait.eq [sflag:s15], $0x1  }
0x94: {  	s16 =	sld [smem:$0x10];
	[sflag:s15] =	ssyncset.done $0x0  }
0x95: {  	s17 =	sld [smem:$0x11];
	[sflag:s15] =	ssyncadd.s32 $0xFFFFFFFF  }
0x96: {  	s18 =	sld [smem:$0x13];
	(tm) =	ssettm $0x1  }
0x97: {  	s5 =	sld [smem:$0x3FFB];
	_ =	sdelay $0x3  }
0x98: {  	_ =	strace s5  }
0x99: {  	s5 =	sld [smem:$0x3FFC];
	_ =	sdelay $0x3  }
0x9a: {  	_ =	strace s5  }
0x9b: {  	s5 =	sld [smem:$0x3FFD];
	_ =	sdelay $0x3  }
0x9c: {  	_ =	strace s5  }
0x9d: {  	_ =	strace $0x8FFFFFFF  }
0x9e: {  	s19 =	sld [smem:$0x3FDB];
	_ =	sdelay $0x1  }
0x9f: {  	s6 =	simm.s32 $_scs_section_size  }
0xa0: {  	s7 =	simm.s32 $_size__tile_overlayer_lowered;
	s8 =	simm.s32 $_tile_overlayer_lowered  }
0xa1: {  	s22 =	simm.s32 $0x1BFF;
	s21 =	sshll.u32 s8, $0x1;
	s5 =	sadd.s32 s6, s19  }
0xa2: {  	s9 =	simm.s32 $0x0;
	s20 =	sshll.u32 s7, $0x1;
	s7 =	sadd.s32 s21, s5  }
0xa3: {  	[timem:s9], [sflag:s22] =	dma.local [hbm:s7], s20  }
0xa4: {  	_ =	swait.ge [sflag:s22], s20  }
0xa5: {  	s6 =	ssub.s32 $0x0, s20;
	[sflag:s22] =	ssyncset.done $0x0  }
0xa6: {  	[sflag:s22] =	ssyncadd.s32 s6;
	_ =	sdelay $0x1  }
0xa7: {  	s23 =	simm.s32 $0x1B8B  }
0xa8: {  	_ =	swait.ge [sflag:s23], $0x1  }
0xa9: {  	[sflag:s23] =	ssyncset.done $0x0  }
0xaa: {  	s25 =	simm.s32 $0x1B8E;
	s24 =	sld [smem:$0x3FFE];
	[sflag:s23] =	ssyncadd.s32 $0xFFFFFFFF  }
0xab: {  	s26 =	simm.s32 $execute0_lowered;
	[smem:$0x3FD2] =	sst s25  }
0xac: {  	s7 =	sshll.u32 s26, $0x1;
	_ =	strace $0x80000046;
	[dreg:$0x1] =	wrdreg $0xFFFFFFFF  }
0xad: {  	s28 =	simm.s32 $_size_execute0_lowered;
	s5 =	sadd.s32 s5, s7;
	[dreg:$0x0] =	wrdreg $0x0  }
0xae: {  	s7 =	sshll.u32 s28, $0x1;
	[dreg:$0x2] =	wrdreg s5  }
0xaf: {  	[dreg:$0x3] =	wrdreg s7  }
0xb0: {  	[dreg:$0x4] =	wrdreg $0xC0  }
0xb1: {  	_ =	task [dreg:s9], $0x5FFFF  }
0xb2: {  	[dreg:$0x1] =	wrdreg $0xFFFFFFFF  }
0xb3: {  	[dreg:$0x0] =	wrdreg $0x60  }
0xb4: {  	[dreg:$0x2] =	wrdreg s17  }
0xb5: {  	[dreg:$0x3] =	wrdreg s24  }
0xb6: {  	[dreg:$0x4] =	wrdreg s18  }
0xb7: {  	[dreg:$0x5] =	wrdreg s16  }
0xb8: {  	[dreg:$0x6] =	wrdreg $0x9  }
0xb9: {  	_ =	task.clear_ibuf [dreg:s9], $0x7FFFF;
	_ =	strace $0x90000046  }
0xba: {  	s29 =	simm.s32 $0x9;
	_ =	strace $0x80000048  }
0xbb: {  	_ =	swait.ge [sflag:s29], $0x1  }
0xbc: {  	[sflag:s29] =	ssyncadd.s32 $0xFFFFFFFF  }
0xbd: {  	_ =	strace $0x90000048  }
0xbe: {  	_ =	sfence  }
0xbf: {  	s30 =	sld [smem:$0x0];
	_ =	sdelay $0x2  }
0xc0: {  	s31 =	sshll.u32 s1, $0xD;
	s1 =	sshrl.u32 s1, $0x2  }
0xc1: {  	s3 =	sand.u32 $0x4000, s31;
	s1 =	sadd.s32 s1, s30  }
0xc2: {  	s0 =	sor.u32 s3, s0;
	s1 =	sshll.u32 s1, $0x11  }
0xc3: {  	s0 =	sor.u32 s1, s0  }
0xc4: {  	s0 =	sadd.s32 $0x8F2B, s0  }
0xc5: {  	[sflag:s0] =	ssyncadd.remote.s32 $0x1  }
0xc6: {  	_ =	sfence.sel $0xFFFF  }
0xc7: {  	[dreg:$0x0] =	wrdreg $0xFFFFFFFF;
	(pc) =	sbr.abs _section_cstart, $3  }
0xc8: {  	[dreg:$0x1] =	wrdreg $0xFFFFFFFF  }
0xc9: {  	_ =	task.clear_ibuf [dreg:s9], $0x2FFFF;
	_ =	strace $0x9FFFFFFF  }
0xca: {  	(tm) =	ssettm $0x7FFFFFFF  }
0xcb: {  	_ =	shalt  }
tec
execute0_lowered:
.L_overlay_start_1:
0x0: {  	(tag) =	ssettag $0x1  }
0x1: {  	s0 =	rddreg [dreg:$0x0]  }
0x2: {  	s1 =	rddreg [dreg:$0x1]  }
0x3: {  	s2 =	rddreg [dreg:$0x3]  }
0x4: {  	s4 =	srdreg.scid;
	s6 =	stileid.u32;
	s3 =	simm.s32 $0x0  }
0x5: {  	s28 =	simm.s32 $0x11480;
	s29 =	simm.s32 $0x16380;
	s30 =	simm.s32 $0x2  }
0x6: {  	s31 =	simm.s32 $0x0;
	s5 =	sand.u32 $0x1, s4;
	s23 =	sshll.u32 s6, $0x1  }
0x7: {  	[smem:$0x7FF] =	sst s3;
	s4 =	sadd.s32 $0x1400, s1;
	s8 =	sor.u32 s5, s23  }
0x8: {  	_ =	strace $0x80000047;
	s5 =	ssub.s32 $0x2, s5;
	s23 =	simm.s32 $0x13C00  }
0x9: {  	s24 =	sshll.u32 s8, $0x2;
	s10 =	smul.u32 $0x1388, s8;
	s25 =	sshrl.u32 s5, $0x1  }
0xa: {  	s14 =	sshllo.u32 s8, $0x2;
	s17 =	sshll.u32 s8, $0x3;
	s9 =	sor.u32 $0x1, s24  }
0xb: {  	s12 =	sor.u32 $0x2, s24;
	s15 =	ssub.s32 s5, s25;
	s16 =	smul.u32 $0x4E2, s14  }
0xc: {  	s26 =	sor.u32 $0x1, s17;
	s22 =	sshll.u32 s14, $0x1;
	s25 =	sshllo.u32 s14, $0x1  }
0xd: {  	v0 =	vmov s17;
	s17 =	simm.s32 $0x2780;
	s24 =	simm.s32 $0x9E00;
	s11 =	smul.u32 $0x4E2, s9  }
0xe: {  	s13 =	smul.u32 $0x4E2, s12;
	s5 =	sadd.s32 s0, s10;
	s18 =	sshll.u32 s9, $0x1  }
0xf: {  	s19 =	sshllo.u32 s9, $0x1;
	s20 =	sshll.u32 s12, $0x1;
	s21 =	sshllo.u32 s12, $0x1  }
0x10: {  	v8 =	vimm.s32 $0xFF7F0000;
	v9 =	vlaneseq.u32;
	v10 =	vimm.f32 $1.000000000e+00;
	s9 =	sadd.s32 $0x19DC, s1;
	s10 =	sadd.s32 s2, s10;
	s14 =	smax.u32 s15, $0x1  }
.Ltmp0:
0x11: {  	v0 =	vbroadcast v0, $0x0;
	v1 =	vmov s26;
	s15 =	simm.s32 $0x1E900;
	v6 =	vmov s22;
	s22 =	simm.s32 $0x1;
	(pc) =	sbr.rel .LBB2_1-.Ltmp0, $4  }
0x12: {  	v7 =	vmov s25;
	s25 =	simm.s32 $0xC580;
	s26 =	simm.s32 $0xED00;
	s8 =	sadd.s32 s0, s16;
	v2 =	vmov s18;
	v1 =	vbroadcast v1, $0x0  }
0x13: {  	v3 =	vmov s19;
	s18 =	simm.s32 $0x4F00;
	v5 =	vmov s21;
	s19 =	simm.s32 $0x7680;
	s21 =	simm.s32 $0x1BA00;
	v6 =	vbroadcast v6, $0x0  }
0x14: {  	v4 =	vmov s20;
	s6 =	sadd.s32 s0, s11;
	s7 =	sadd.s32 s0, s13;
	s11 =	sadd.s32 s2, s11;
	v2 =	vbroadcast v2, $0x0;
	v3 =	vbroadcast v3, $0x0  }
0x15: {  	v11 =	vimm.f32 $0.0e+00;
	s12 =	sadd.s32 s2, s13;
	s13 =	sadd.s32 s2, s16;
	s16 =	simm.s32 $0x3;
	v4 =	vbroadcast v4, $0x0;
	v5 =	vbroadcast v5, $0x0  }
.LBB2_22:
0x16: {  	[hbm4b:s10+s3] =	stream.linear.scatter [tilespmem:s24], [sflag:$0x3], $0x2710, $0x38;
	[tilespmem:$0x1EA00] =	vst v63  }
0x17: {  	_ =	swait.ge [sflag:s16], $0x2710  }
0x18: {  	[sflag:s16] =	ssyncset.done $0x0  }
0x19: {  	[sflag:s16] =	ssyncadd.s32 $0xFFFFD8F0  }
0x1a: {  	[hbm4b:s11+s3] =	stream.linear.scatter [tilespmem:s25], [sflag:$0x3], $0x2710, $0x38;
	[tilespmem:$0x1EA00] =	vst v63  }
0x1b: {  	_ =	swait.ge [sflag:s16], $0x2710  }
0x1c: {  	[sflag:s16] =	ssyncset.done $0x0  }
0x1d: {  	[sflag:s16] =	ssyncadd.s32 $0xFFFFD8F0  }
0x1e: {  	[hbm4b:s12+s3] =	stream.linear.scatter [tilespmem:s26], [sflag:$0x3], $0x2710, $0x38;
	[tilespmem:$0x1EA00] =	vst v63  }
0x1f: {  	s31 =	sadd.s32 $0x1, s31;
	_ =	swait.ge [sflag:s16], $0x2710  }
0x20: {  	p0 =	sne.s32 s31, s14;
	[sflag:s16] =	ssyncset.done $0x0  }
.Ltmp1:
0x21: {  	[sflag:s16] =	ssyncadd.s32 $0xFFFFD8F0;
	(pc) =	sbr.rel @!p0 .LBB2_23-.Ltmp1, $4  }
0x22: {  	[hbm4b:s13+s3] =	stream.linear.scatter [tilespmem:s28], [sflag:$0x3], $0x2710, $0x38;
	[tilespmem:$0x1EA00] =	vst v63  }
0x23: {  	_ =	swait.ge [sflag:s16], $0x2710  }
0x24: {  	[sflag:s16] =	ssyncset.done $0x0  }
0x25: {  	[sflag:s16] =	ssyncadd.s32 $0xFFFFD8F0  }
.LBB2_1:
0x26: {  	s0 =	rddreg [dreg:$0x2]  }
0x27: {  	[tilespmem:s15], [sflag:$0x3] =	stream.linear.gather [hbm4b:s0+s3], $0x100, $0x38;
	[tilespmem:$0x1EA00] =	vst v63  }
0x28: {  	_ =	swait.ge [sflag:s16], $0x100  }
0x29: {  	[sflag:s16] =	ssyncset.done $0x0  }
0x2a: {  	[sflag:s16] =	ssyncadd.s32 $0xFFFFFF00  }
0x2b: {  	[tilespmem:s3], [sflag:$0x3] =	stream.linear.gather [hbm4b:s5+s3], $0x2710, $0x38;
	[tilespmem:$0x1EA00] =	vst v63  }
0x2c: {  	_ =	swait.ge [sflag:s16], $0x2710  }
0x2d: {  	[sflag:s16] =	ssyncset.done $0x0  }
0x2e: {  	[sflag:s16] =	ssyncadd.s32 $0xFFFFD8F0  }
0x2f: {  	[tilespmem:s17], [sflag:$0x3] =	stream.linear.gather [hbm4b:s6+s3], $0x2710, $0x38;
	[tilespmem:$0x1EA00] =	vst v63  }
0x30: {  	_ =	swait.ge [sflag:s16], $0x2710  }
0x31: {  	[sflag:s16] =	ssyncset.done $0x0  }
0x32: {  	[sflag:s16] =	ssyncadd.s32 $0xFFFFD8F0  }
0x33: {  	[tilespmem:s18], [sflag:$0x3] =	stream.linear.gather [hbm4b:s7+s3], $0x2710, $0x38;
	[tilespmem:$0x1EA00] =	vst v63  }
0x34: {  	_ =	swait.ge [sflag:s16], $0x2710  }
0x35: {  	[sflag:s16] =	ssyncset.done $0x0  }
0x36: {  	[sflag:s16] =	ssyncadd.s32 $0xFFFFD8F0  }
0x37: {  	[tilespmem:s19], [sflag:$0x3] =	stream.linear.gather [hbm4b:s8+s3], $0x2710, $0x38;
	[tilespmem:$0x1EA00] =	vst v63  }
0x38: {  	_ =	swait.ge [sflag:s16], $0x2710  }
0x39: {  	[sflag:s16] =	ssyncset.done $0x0  }
0x3a: {  	s1 =	simm.s32 $0x40;
	s0 =	simm.s32 $0x0;
	[sflag:s16] =	ssyncadd.s32 $0xFFFFD8F0  }
.LBB2_2:
0x3b: {  	p0 =	sne.s32 s1, $0x9C00;
	[tilespmem:s0+$0x11480] =	vst v8;
	s2 =	smov.u32 s1;
	s1 =	sadd.s32 $0x40, s1  }
.Ltmp2:
0x3c: {  	[tilespmem:s0+$0xED00] =	vst v8;
	(pc) =	sbr.rel @p0 .LBB2_2-.Ltmp2, $3  }
0x3d: {  	[tilespmem:s0+$0x9E00] =	vst v8  }
0x3e: {  	[tilespmem:s0+$0xC580] =	vst v8;
	_ =	sdelay $0x1  }
0x3f: {  	s0 =	sshra.s32 s2, $0x2  }
0x40: {  	[tilespmem:s0+$0x11480] =	vst v8  }
0x41: {  	[tilespmem:s0+$0xED00] =	vst v8  }
0x42: {  	[tilespmem:s0+$0x9E00] =	vst v8  }
0x43: {  	[tilespmem:s0+$0xC580] =	vst v8  }
0x44: {  	v12 =	vld.idx.msk [tilespmem:v0+s15+$0x0], $0xffff  }
0x45: {  	v13 =	vld.idx.msk [tilespmem:v1+s15+$0x0], $0xffff  }
0x46: {  	v14 =	vld.idx.msk [tilespmem:v2+s15+$0x0], $0xffff  }
0x47: {  	v15 =	vld.idx.msk [tilespmem:v3+s15+$0x0], $0xffff  }
0x48: {  	v16 =	vld.idx.msk [tilespmem:v4+s15+$0x0], $0xffff  }
0x49: {  	v17 =	vld.idx.msk [tilespmem:v5+s15+$0x0], $0xffff  }
0x4a: {  	s0 =	simm.s32 $0x0;
	s1 =	simm.s32 $0x18B00;
	v18 =	vld.idx.msk [tilespmem:v6+s15+$0x0], $0xffff  }
0x4b: {  	v19 =	vld.idx.msk [tilespmem:v7+s15+$0x0], $0xffff;
	[tilespmem:s1], [sflag:$0x1] =	stream.linear.gather [hbm4b:s4+s0], $0x2EE0, $0x38  }
0x4c: {  	_ = 	snop  }
0x4d: {  	[tilespmem:s21], [sflag:$0x2] =	stream.linear.gather [hbm4b:s9+s0], $0x2EE0, $0x38;
	[tilespmem:$0x1EA00] =	vst v63  }
.LBB2_4:
.Ltmp3:
0x4e: {  	(pc) =	sbr.rel .LBB2_5-.Ltmp3, $4  }
0x4f: {  	_ = 	snop  }
0x50: {  	_ =	swait.ge [sflag:s22], $0x2EE0  }
0x51: {  	[sflag:s22] =	ssyncset.done $0x0  }
0x52: {  	s1 =	simm.s32 $0x0;
	[sflag:s22] =	ssyncadd.s32 $0xFFFFD120  }
.LBB2_11:
0x53: {  	s1 =	sadd.s32 $0x1, s1  }
0x54: {  	p0 =	sne.s32 s1, $0x7D  }
.Ltmp4:
0x55: {  	_ = 	snop;
	(pc) =	sbr.rel @!p0 .LBB2_12-.Ltmp4, $1  }
0x56: {  	_ =	sdelay $0x3  }
.LBB2_5:
0x57: {  	s2 =	sshll.u32 s1, $0x5  }
0x58: {  	s2 =	sand.u32 $0x3FFFFFE0, s2  }
0x59: {  	v20 =	vld [tilespmem:s2+$0x19AA0];
	_ =	sdelay $0x1  }
0x5a: {  	v28 =	vld [tilespmem:s2+$0x18B00];
	_ =	sdelay $0x5  }
0x5b: {  	v29 =	vld [tilespmem:s2+$0x1AA40];
	[tilespmem:v20+s23+$0x0] =	vst.idx.msk $0xffff, v9  }
0x5c: {  	v27 =	vld.idx.msk [tilespmem:v20+s23+$0x0], $0xffff  }
0x5d: {  	v21 =	vld.idx.msk [tilespmem:v28+s3+$0x0], $0xffff;
	_ =	sdelay $0x1  }
0x5e: {  	v23 =	vld.idx.msk [tilespmem:v20+s24+$0x0], $0xffff;
	_ =	sdelay $0x1  }
0x5f: {  	v22 =	vmul.f32 v29, v12;
	v24 =	vmul.f32 v29, v13;
	vm0 =	veq.s32 v27, v9  }
0x60: {  	v25 =	vunpack.i.u.bf16.f32 v21;
	v21 =	vunpack.i.l.bf16.f32 v21  }
0x61: {  	v21 =	vadd.f32 v21, v22;
	v22 =	vadd.f32 v25, v24  }
0x62: {  	v24 =	vunpack.i.u.bf16.f32 v23;
	v23 =	vunpack.i.l.bf16.f32 v23  }
0x63: {  	v23 =	vmax.f32 v23, v21;
	v24 =	vmax.f32 v24, v22  }
0x64: {  	v23 =	vpack.i.f32.bf16 v24, v23  }
0x65: {  	[tilespmem:v20+s24+$0x0] =	vst.idx.msk vm0, v23  }
0x66: {  	v23 =	vld.idx.msk [tilespmem:v28+s17+$0x0], $0xffff;
	_ =	sdelay $0x3  }
0x67: {  	v26 =	vmul.f32 v29, v15;
	v24 =	vmul.f32 v29, v14;
	v25 =	vld.idx.msk [tilespmem:v20+s25+$0x0], $0xffff  }
0x68: {  	v30 =	vunpack.i.u.bf16.f32 v23;
	v23 =	vunpack.i.l.bf16.f32 v23  }
0x69: {  	v23 =	vadd.f32 v23, v24;
	v24 =	vadd.f32 v30, v26;
	v26 =	vsel vm0, $0x0, v10  }
0x6a: {  	(xrf0) =	vmax.scan.msk.f32 $0xffff, v26;
	_ =	sdelay $0x1  }
0x6b: {  	v30 =	vunpack.i.u.bf16.f32 v25  }
0x6c: {  	v25 =	vunpack.i.l.bf16.f32 v25;
	v26 =	vmax.f32 v30, v24  }
0x6d: {  	v25 =	vmax.f32 v25, v23  }
0x6e: {  	v25 =	vpack.i.f32.bf16 v26, v25  }
0x6f: {  	[tilespmem:v20+s25+$0x0] =	vst.idx.msk vm0, v25;
	v26, _, _ =	vpop (xrf0)  }
0x70: {  	v25 =	vld.idx.msk [tilespmem:v28+s18+$0x0], $0xffff;
	(v2sf) =	vpush v26, $0xF;
	_ =	sdelay $0x1  }
0x71: {  	v30 =	vld.idx.msk [tilespmem:v20+s26+$0x0], $0xffff;
	_ =	sdelay $0x1  }
0x72: {  	v31 =	vmul.f32 v29, v17;
	v26 =	vmul.f32 v29, v16  }
0x73: {  	v32 =	vunpack.i.u.bf16.f32 v25;
	v25 =	vunpack.i.l.bf16.f32 v25  }
0x74: {  	v25 =	vadd.f32 v25, v26;
	v26 =	vadd.f32 v32, v31  }
0x75: {  	v31 =	vunpack.i.u.bf16.f32 v30;
	v30 =	vunpack.i.l.bf16.f32 v30  }
0x76: {  	v30 =	vmax.f32 v30, v25;
	v31 =	vmax.f32 v31, v26  }
0x77: {  	v30 =	vpack.i.f32.bf16 v31, v30  }
0x78: {  	[tilespmem:v20+s26+$0x0] =	vst.idx.msk vm0, v30  }
0x79: {  	v28 =	vld.idx.msk [tilespmem:v28+s19+$0x0], $0xffff;
	_ =	sdelay $0x1  }
0x7a: {  	v30 =	vld.idx.msk [tilespmem:v20+s28+$0x0], $0xffff;
	_ =	sdelay $0x1  }
0x7b: {  	v31 =	vmul.f32 v29, v18;
	v29 =	vmul.f32 v29, v19;
	s20 =	spop (v2sf)  }
0x7c: {  	v63 =	vunpack.i.u.bf16.f32 v28;
	v28 =	vunpack.i.l.bf16.f32 v28;
	p0 =	sgt.f32 s20, $0.0e+00  }
.Ltmp5:
0x7d: {  	v28 =	vadd.f32 v28, v31;
	v29 =	vadd.f32 v63, v29;
	(pc) =	sbr.rel @!p0 .LBB2_8-.Ltmp5, $4  }
0x7e: {  	v31 =	vunpack.i.u.bf16.f32 v30;
	v30 =	vunpack.i.l.bf16.f32 v30  }
0x7f: {  	v30 =	vmax.f32 v30, v28;
	v31 =	vmax.f32 v31, v29  }
0x80: {  	v30 =	vpack.i.f32.bf16 v31, v30  }
0x81: {  	[tilespmem:v20+s28+$0x0] =	vst.idx.msk vm0, v30  }
0x82: {  	vm0 =	vne.s32 v27, v9  }
.LBB2_7:
0x83: {  	[tilespmem:v20+s23+$0x0] =	vst.idx.msk vm0, v9  }
0x84: {  	v27 =	vld.idx.msk [tilespmem:v20+s23+$0x0], $0xffff;
	_ =	sdelay $0x3  }
0x85: {  	v30 =	vld.idx.msk [tilespmem:v20+s24+$0x0], $0xffff  }
0x86: {  	vm1 =	veq.s32 v27, v9  }
0x87: {  	vm1 =	vmand vm0, vm1;
	_ =	sdelay $0x2  }
0x88: {  	v27 =	vunpack.i.u.bf16.f32 v30;
	v30 =	vunpack.i.l.bf16.f32 v30  }
0x89: {  	v30 =	vmax.f32 v30, v21;
	v27 =	vmax.f32 v27, v22  }
0x8a: {  	v27 =	vpack.i.f32.bf16 v27, v30  }
0x8b: {  	[tilespmem:v20+s24+$0x0] =	vst.idx.msk vm1, v27  }
0x8c: {  	v27 =	vld.idx.msk [tilespmem:v20+s25+$0x0], $0xffff  }
0x8d: {  	vm0 =	vmxor vm0, vm1  }
0x8e: {  	v30 =	vsel vm0, $0x3F800000, v11  }
0x8f: {  	(xrf0) =	vmax.scan.msk.f32 $0xffff, v30;
	_ =	sdelay $0x1  }
0x90: {  	v30 =	vunpack.i.u.bf16.f32 v27  }
0x91: {  	v30 =	vmax.f32 v30, v24  }
0x92: {  	v27 =	vunpack.i.l.bf16.f32 v27  }
0x93: {  	v27 =	vmax.f32 v27, v23  }
0x94: {  	v27 =	vpack.i.f32.bf16 v30, v27;
	v30, _, _ =	vpop (xrf0)  }
0x95: {  	(v2sf) =	vpush v30, $0xF;
	_ =	sdelay $0x2  }
0x96: {  	[tilespmem:v20+s25+$0x0] =	vst.idx.msk vm1, v27  }
0x97: {  	v27 =	vld.idx.msk [tilespmem:v20+s26+$0x0], $0xffff;
	_ =	sdelay $0x4  }
0x98: {  	v30 =	vunpack.i.u.bf16.f32 v27;
	v27 =	vunpack.i.l.bf16.f32 v27  }
0x99: {  	v27 =	vmax.f32 v27, v25;
	v30 =	vmax.f32 v30, v26  }
0x9a: {  	v27 =	vpack.i.f32.bf16 v30, v27  }
0x9b: {  	[tilespmem:v20+s26+$0x0] =	vst.idx.msk vm1, v27  }
0x9c: {  	v27 =	vld.idx.msk [tilespmem:v20+s28+$0x0], $0xffff;
	_ =	sdelay $0x1  }
0x9d: {  	s20 =	spop (v2sf)  }
0x9e: {  	p0 =	sgt.f32 s20, $0.0e+00  }
.Ltmp6:
0x9f: {  	_ = 	snop;
	(pc) =	sbr.rel @p0 .LBB2_7-.Ltmp6, $4  }
0xa0: {  	v30 =	vunpack.i.u.bf16.f32 v27;
	v27 =	vunpack.i.l.bf16.f32 v27  }
0xa1: {  	v27 =	vmax.f32 v27, v28;
	v30 =	vmax.f32 v30, v29  }
0xa2: {  	v27 =	vpack.i.f32.bf16 v30, v27  }
0xa3: {  	[tilespmem:v20+s28+$0x0] =	vst.idx.msk vm1, v27  }
.LBB2_8:
0xa4: {  	v20 =	vld [tilespmem:s2+$0x19AB0];
	_ =	sdelay $0x1  }
0xa5: {  	v28 =	vld [tilespmem:s2+$0x18B10];
	_ =	sdelay $0x5  }
0xa6: {  	v29 =	vld [tilespmem:s2+$0x1AA50];
	[tilespmem:v20+s29+$0x0] =	vst.idx.msk $0xffff, v9  }
0xa7: {  	v27 =	vld.idx.msk [tilespmem:v20+s29+$0x0], $0xffff  }
0xa8: {  	v21 =	vld.idx.msk [tilespmem:v28+s3+$0x0], $0xffff;
	_ =	sdelay $0x1  }
0xa9: {  	v23 =	vld.idx.msk [tilespmem:v20+s24+$0x0], $0xffff;
	_ =	sdelay $0x1  }
0xaa: {  	v22 =	vmul.f32 v29, v12;
	v24 =	vmul.f32 v29, v13;
	vm0 =	veq.s32 v27, v9  }
0xab: {  	v25 =	vunpack.i.u.bf16.f32 v21;
	v21 =	vunpack.i.l.bf16.f32 v21  }
0xac: {  	v21 =	vadd.f32 v21, v22;
	v22 =	vadd.f32 v25, v24  }
0xad: {  	v24 =	vunpack.i.u.bf16.f32 v23;
	v23 =	vunpack.i.l.bf16.f32 v23  }
0xae: {  	v23 =	vmax.f32 v23, v21;
	v24 =	vmax.f32 v24, v22  }
0xaf: {  	v23 =	vpack.i.f32.bf16 v24, v23  }
0xb0: {  	[tilespmem:v20+s24+$0x0] =	vst.idx.msk vm0, v23  }
0xb1: {  	v23 =	vld.idx.msk [tilespmem:v28+s17+$0x0], $0xffff;
	_ =	sdelay $0x3  }
0xb2: {  	v26 =	vmul.f32 v29, v15;
	v24 =	vmul.f32 v29, v14;
	v25 =	vld.idx.msk [tilespmem:v20+s25+$0x0], $0xffff  }
0xb3: {  	v30 =	vunpack.i.u.bf16.f32 v23;
	v23 =	vunpack.i.l.bf16.f32 v23  }
0xb4: {  	v23 =	vadd.f32 v23, v24;
	v24 =	vadd.f32 v30, v26;
	v26 =	vsel vm0, $0x0, v10  }
0xb5: {  	(xrf0) =	vmax.scan.msk.f32 $0xffff, v26;
	_ =	sdelay $0x1  }
0xb6: {  	v30 =	vunpack.i.u.bf16.f32 v25  }
0xb7: {  	v25 =	vunpack.i.l.bf16.f32 v25;
	v26 =	vmax.f32 v30, v24  }
0xb8: {  	v25 =	vmax.f32 v25, v23  }
0xb9: {  	v25 =	vpack.i.f32.bf16 v26, v25  }
0xba: {  	[tilespmem:v20+s25+$0x0] =	vst.idx.msk vm0, v25;
	v26, _, _ =	vpop (xrf0)  }
0xbb: {  	v25 =	vld.idx.msk [tilespmem:v28+s18+$0x0], $0xffff;
	(v2sf) =	vpush v26, $0xF;
	_ =	sdelay $0x1  }
0xbc: {  	v30 =	vld.idx.msk [tilespmem:v20+s26+$0x0], $0xffff;
	_ =	sdelay $0x1  }
0xbd: {  	v31 =	vmul.f32 v29, v17;
	v26 =	vmul.f32 v29, v16  }
0xbe: {  	v32 =	vunpack.i.u.bf16.f32 v25;
	v25 =	vunpack.i.l.bf16.f32 v25  }
0xbf: {  	v25 =	vadd.f32 v25, v26;
	v26 =	vadd.f32 v32, v31  }
0xc0: {  	v31 =	vunpack.i.u.bf16.f32 v30;
	v30 =	vunpack.i.l.bf16.f32 v30  }
0xc1: {  	v30 =	vmax.f32 v30, v25;
	v31 =	vmax.f32 v31, v26  }
0xc2: {  	v30 =	vpack.i.f32.bf16 v31, v30  }
0xc3: {  	[tilespmem:v20+s26+$0x0] =	vst.idx.msk vm0, v30  }
0xc4: {  	v28 =	vld.idx.msk [tilespmem:v28+s19+$0x0], $0xffff;
	_ =	sdelay $0x1  }
0xc5: {  	v30 =	vld.idx.msk [tilespmem:v20+s28+$0x0], $0xffff;
	_ =	sdelay $0x1  }
0xc6: {  	v31 =	vmul.f32 v29, v18;
	v29 =	vmul.f32 v29, v19;
	s20 =	spop (v2sf)  }
0xc7: {  	v63 =	vunpack.i.u.bf16.f32 v28;
	v28 =	vunpack.i.l.bf16.f32 v28;
	p0 =	sgt.f32 s20, $0.0e+00  }
.Ltmp7:
0xc8: {  	v28 =	vadd.f32 v28, v31;
	v29 =	vadd.f32 v63, v29;
	(pc) =	sbr.rel @!p0 .LBB2_11-.Ltmp7, $4  }
0xc9: {  	v31 =	vunpack.i.u.bf16.f32 v30;
	v30 =	vunpack.i.l.bf16.f32 v30  }
0xca: {  	v30 =	vmax.f32 v30, v28;
	v31 =	vmax.f32 v31, v29  }
0xcb: {  	v30 =	vpack.i.f32.bf16 v31, v30  }
0xcc: {  	[tilespmem:v20+s28+$0x0] =	vst.idx.msk vm0, v30  }
0xcd: {  	vm0 =	vne.s32 v27, v9  }
.LBB2_10:
0xce: {  	[tilespmem:v20+s29+$0x0] =	vst.idx.msk vm0, v9  }
0xcf: {  	v27 =	vld.idx.msk [tilespmem:v20+s29+$0x0], $0xffff;
	_ =	sdelay $0x3  }
0xd0: {  	v30 =	vld.idx.msk [tilespmem:v20+s24+$0x0], $0xffff  }
0xd1: {  	vm1 =	veq.s32 v27, v9  }
0xd2: {  	vm1 =	vmand vm0, vm1;
	_ =	sdelay $0x2  }
0xd3: {  	v27 =	vunpack.i.u.bf16.f32 v30;
	v30 =	vunpack.i.l.bf16.f32 v30  }
0xd4: {  	v30 =	vmax.f32 v30, v21;
	v27 =	vmax.f32 v27, v22  }
0xd5: {  	v27 =	vpack.i.f32.bf16 v27, v30  }
0xd6: {  	[tilespmem:v20+s24+$0x0] =	vst.idx.msk vm1, v27  }
0xd7: {  	v27 =	vld.idx.msk [tilespmem:v20+s25+$0x0], $0xffff  }
0xd8: {  	vm0 =	vmxor vm0, vm1  }
0xd9: {  	v30 =	vsel vm0, $0x3F800000, v11  }
0xda: {  	(xrf0) =	vmax.scan.msk.f32 $0xffff, v30;
	_ =	sdelay $0x1  }
0xdb: {  	v30 =	vunpack.i.u.bf16.f32 v27  }
0xdc: {  	v30 =	vmax.f32 v30, v24  }
0xdd: {  	v27 =	vunpack.i.l.bf16.f32 v27  }
0xde: {  	v27 =	vmax.f32 v27, v23  }
0xdf: {  	v27 =	vpack.i.f32.bf16 v30, v27;
	v30, _, _ =	vpop (xrf0)  }
0xe0: {  	(v2sf) =	vpush v30, $0xF;
	_ =	sdelay $0x2  }
0xe1: {  	[tilespmem:v20+s25+$0x0] =	vst.idx.msk vm1, v27  }
0xe2: {  	v27 =	vld.idx.msk [tilespmem:v20+s26+$0x0], $0xffff;
	_ =	sdelay $0x4  }
0xe3: {  	v30 =	vunpack.i.u.bf16.f32 v27;
	v27 =	vunpack.i.l.bf16.f32 v27  }
0xe4: {  	v27 =	vmax.f32 v27, v25;
	v30 =	vmax.f32 v30, v26  }
0xe5: {  	v27 =	vpack.i.f32.bf16 v30, v27  }
0xe6: {  	[tilespmem:v20+s26+$0x0] =	vst.idx.msk vm1, v27  }
0xe7: {  	v27 =	vld.idx.msk [tilespmem:v20+s28+$0x0], $0xffff;
	_ =	sdelay $0x1  }
0xe8: {  	s2 =	spop (v2sf)  }
0xe9: {  	p0 =	sgt.f32 s2, $0.0e+00  }
.Ltmp8:
0xea: {  	_ = 	snop;
	(pc) =	sbr.rel @p0 .LBB2_10-.Ltmp8, $4  }
0xeb: {  	v30 =	vunpack.i.u.bf16.f32 v27;
	v27 =	vunpack.i.l.bf16.f32 v27  }
0xec: {  	v27 =	vmax.f32 v27, v28;
	v30 =	vmax.f32 v30, v29  }
0xed: {  	v27 =	vpack.i.f32.bf16 v30, v27  }
0xee: {  	[tilespmem:v20+s28+$0x0] =	vst.idx.msk vm1, v27  }
.Ltmp9:
0xef: {  	_ = 	snop;
	(pc) =	sbr.rel .LBB2_11-.Ltmp9, $1  }
0xf0: {  	_ =	sdelay $0x3  }
.LBB2_12:
0xf1: {  	p0 =	seq.s32 s0, $0x27  }
0xf2: {  	s1 =	smul.u32 @!p0 $0x5DC0, s0;
	_ =	sdelay $0x1  }
0xf3: {  	s1 =	sshrl.u32 @!p0 s1, $0x3  }
0xf4: {  	s2 =	simm.s32 @!p0 $0x0;
	s1 =	sadd.s32 @!p0 s4, s1  }
.Ltmp10:
0xf5: {  	s20 =	simm.s32 @!p0 $0x18B00;
	s1 =	sadd.s32 @!p0 $0xBB8, s1;
	(pc) =	sbr.rel .LBB2_13-.Ltmp10, $4  }
0xf6: {  	[tilespmem:s20], [sflag:$0x1] =	stream.linear.gather @!p0 [hbm4b:s1+s2], $0x2EE0, $0x38;
	[tilespmem:$0x1EA00] =	vst v63  }
0xf7: {  	_ =	swait.ge [sflag:s30], $0x2EE0  }
0xf8: {  	[sflag:s30] =	ssyncset.done $0x0  }
0xf9: {  	s1 =	simm.s32 $0x0;
	[sflag:s30] =	ssyncadd.s32 $0xFFFFD120  }
.LBB2_19:
0xfa: {  	s1 =	sadd.s32 $0x1, s1  }
0xfb: {  	p1 =	sne.s32 s1, $0x7D  }
.Ltmp11:
0xfc: {  	_ = 	snop;
	(pc) =	sbr.rel @!p1 .LBB2_20-.Ltmp11, $1  }
0xfd: {  	_ =	sdelay $0x3  }
.LBB2_13:
0xfe: {  	s2 =	sshll.u32 s1, $0x5  }
0xff: {  	s2 =	sand.u32 $0x3FFFFFE0, s2  }
0x100: {  	v20 =	vld [tilespmem:s2+$0x1C9A0];
	_ =	sdelay $0x1  }
0x101: {  	v28 =	vld [tilespmem:s2+$0x1BA00];
	_ =	sdelay $0x5  }
0x102: {  	v29 =	vld [tilespmem:s2+$0x1D940];
	[tilespmem:v20+s23+$0x0] =	vst.idx.msk $0xffff, v9  }
0x103: {  	v27 =	vld.idx.msk [tilespmem:v20+s23+$0x0], $0xffff  }
0x104: {  	v21 =	vld.idx.msk [tilespmem:v28+s3+$0x0], $0xffff;
	_ =	sdelay $0x1  }
0x105: {  	v23 =	vld.idx.msk [tilespmem:v20+s24+$0x0], $0xffff;
	_ =	sdelay $0x1  }
0x106: {  	v22 =	vmul.f32 v29, v12;
	v24 =	vmul.f32 v29, v13;
	vm0 =	veq.s32 v27, v9  }
0x107: {  	v25 =	vunpack.i.u.bf16.f32 v21;
	v21 =	vunpack.i.l.bf16.f32 v21  }
0x108: {  	v21 =	vadd.f32 v21, v22;
	v22 =	vadd.f32 v25, v24  }
0x109: {  	v24 =	vunpack.i.u.bf16.f32 v23;
	v23 =	vunpack.i.l.bf16.f32 v23  }
0x10a: {  	v23 =	vmax.f32 v23, v21;
	v24 =	vmax.f32 v24, v22  }
0x10b: {  	v23 =	vpack.i.f32.bf16 v24, v23  }
0x10c: {  	[tilespmem:v20+s24+$0x0] =	vst.idx.msk vm0, v23  }
0x10d: {  	v23 =	vld.idx.msk [tilespmem:v28+s17+$0x0], $0xffff;
	_ =	sdelay $0x3  }
0x10e: {  	v26 =	vmul.f32 v29, v15;
	v24 =	vmul.f32 v29, v14;
	v25 =	vld.idx.msk [tilespmem:v20+s25+$0x0], $0xffff  }
0x10f: {  	v30 =	vunpack.i.u.bf16.f32 v23;
	v23 =	vunpack.i.l.bf16.f32 v23  }
0x110: {  	v23 =	vadd.f32 v23, v24;
	v24 =	vadd.f32 v30, v26;
	v26 =	vsel vm0, $0x0, v10  }
0x111: {  	(xrf0) =	vmax.scan.msk.f32 $0xffff, v26;
	_ =	sdelay $0x1  }
0x112: {  	v30 =	vunpack.i.u.bf16.f32 v25  }
0x113: {  	v25 =	vunpack.i.l.bf16.f32 v25;
	v26 =	vmax.f32 v30, v24  }
0x114: {  	v25 =	vmax.f32 v25, v23  }
0x115: {  	v25 =	vpack.i.f32.bf16 v26, v25  }
0x116: {  	[tilespmem:v20+s25+$0x0] =	vst.idx.msk vm0, v25;
	v26, _, _ =	vpop (xrf0)  }
0x117: {  	v25 =	vld.idx.msk [tilespmem:v28+s18+$0x0], $0xffff;
	(v2sf) =	vpush v26, $0xF;
	_ =	sdelay $0x1  }
0x118: {  	v30 =	vld.idx.msk [tilespmem:v20+s26+$0x0], $0xffff;
	_ =	sdelay $0x1  }
0x119: {  	v31 =	vmul.f32 v29, v17;
	v26 =	vmul.f32 v29, v16  }
0x11a: {  	v32 =	vunpack.i.u.bf16.f32 v25;
	v25 =	vunpack.i.l.bf16.f32 v25  }
0x11b: {  	v25 =	vadd.f32 v25, v26;
	v26 =	vadd.f32 v32, v31  }
0x11c: {  	v31 =	vunpack.i.u.bf16.f32 v30;
	v30 =	vunpack.i.l.bf16.f32 v30  }
0x11d: {  	v30 =	vmax.f32 v30, v25;
	v31 =	vmax.f32 v31, v26  }
0x11e: {  	v30 =	vpack.i.f32.bf16 v31, v30  }
0x11f: {  	[tilespmem:v20+s26+$0x0] =	vst.idx.msk vm0, v30  }
0x120: {  	v28 =	vld.idx.msk [tilespmem:v28+s19+$0x0], $0xffff;
	_ =	sdelay $0x1  }
0x121: {  	v30 =	vld.idx.msk [tilespmem:v20+s28+$0x0], $0xffff;
	_ =	sdelay $0x1  }
0x122: {  	v31 =	vmul.f32 v29, v18;
	v29 =	vmul.f32 v29, v19;
	s20 =	spop (v2sf)  }
0x123: {  	v63 =	vunpack.i.u.bf16.f32 v28;
	v28 =	vunpack.i.l.bf16.f32 v28;
	p1 =	sgt.f32 s20, $0.0e+00  }
.Ltmp12:
0x124: {  	v28 =	vadd.f32 v28, v31;
	v29 =	vadd.f32 v63, v29;
	(pc) =	sbr.rel @!p1 .LBB2_16-.Ltmp12, $4  }
0x125: {  	v31 =	vunpack.i.u.bf16.f32 v30;
	v30 =	vunpack.i.l.bf16.f32 v30  }
0x126: {  	v30 =	vmax.f32 v30, v28;
	v31 =	vmax.f32 v31, v29  }
0x127: {  	v30 =	vpack.i.f32.bf16 v31, v30  }
0x128: {  	[tilespmem:v20+s28+$0x0] =	vst.idx.msk vm0, v30  }
0x129: {  	vm0 =	vne.s32 v27, v9  }
.LBB2_15:
0x12a: {  	[tilespmem:v20+s23+$0x0] =	vst.idx.msk vm0, v9  }
0x12b: {  	v27 =	vld.idx.msk [tilespmem:v20+s23+$0x0], $0xffff;
	_ =	sdelay $0x3  }
0x12c: {  	v30 =	vld.idx.msk [tilespmem:v20+s24+$0x0], $0xffff  }
0x12d: {  	vm1 =	veq.s32 v27, v9  }
0x12e: {  	vm1 =	vmand vm0, vm1;
	_ =	sdelay $0x2  }
0x12f: {  	v27 =	vunpack.i.u.bf16.f32 v30;
	v30 =	vunpack.i.l.bf16.f32 v30  }
0x130: {  	v30 =	vmax.f32 v30, v21;
	v27 =	vmax.f32 v27, v22  }
0x131: {  	v27 =	vpack.i.f32.bf16 v27, v30  }
0x132: {  	[tilespmem:v20+s24+$0x0] =	vst.idx.msk vm1, v27  }
0x133: {  	v27 =	vld.idx.msk [tilespmem:v20+s25+$0x0], $0xffff  }
0x134: {  	vm0 =	vmxor vm0, vm1  }
0x135: {  	v30 =	vsel vm0, $0x3F800000, v11  }
0x136: {  	(xrf0) =	vmax.scan.msk.f32 $0xffff, v30;
	_ =	sdelay $0x1  }
0x137: {  	v30 =	vunpack.i.u.bf16.f32 v27  }
0x138: {  	v30 =	vmax.f32 v30, v24  }
0x139: {  	v27 =	vunpack.i.l.bf16.f32 v27  }
0x13a: {  	v27 =	vmax.f32 v27, v23  }
0x13b: {  	v27 =	vpack.i.f32.bf16 v30, v27;
	v30, _, _ =	vpop (xrf0)  }
0x13c: {  	(v2sf) =	vpush v30, $0xF;
	_ =	sdelay $0x2  }
0x13d: {  	[tilespmem:v20+s25+$0x0] =	vst.idx.msk vm1, v27  }
0x13e: {  	v27 =	vld.idx.msk [tilespmem:v20+s26+$0x0], $0xffff;
	_ =	sdelay $0x4  }
0x13f: {  	v30 =	vunpack.i.u.bf16.f32 v27;
	v27 =	vunpack.i.l.bf16.f32 v27  }
0x140: {  	v27 =	vmax.f32 v27, v25;
	v30 =	vmax.f32 v30, v26  }
0x141: {  	v27 =	vpack.i.f32.bf16 v30, v27  }
0x142: {  	[tilespmem:v20+s26+$0x0] =	vst.idx.msk vm1, v27  }
0x143: {  	v27 =	vld.idx.msk [tilespmem:v20+s28+$0x0], $0xffff;
	_ =	sdelay $0x1  }
0x144: {  	s20 =	spop (v2sf)  }
0x145: {  	p1 =	sgt.f32 s20, $0.0e+00  }
.Ltmp13:
0x146: {  	_ = 	snop;
	(pc) =	sbr.rel @p1 .LBB2_15-.Ltmp13, $4  }
0x147: {  	v30 =	vunpack.i.u.bf16.f32 v27;
	v27 =	vunpack.i.l.bf16.f32 v27  }
0x148: {  	v27 =	vmax.f32 v27, v28;
	v30 =	vmax.f32 v30, v29  }
0x149: {  	v27 =	vpack.i.f32.bf16 v30, v27  }
0x14a: {  	[tilespmem:v20+s28+$0x0] =	vst.idx.msk vm1, v27  }
.LBB2_16:
0x14b: {  	v20 =	vld [tilespmem:s2+$0x1C9B0];
	_ =	sdelay $0x1  }
0x14c: {  	v28 =	vld [tilespmem:s2+$0x1BA10];
	_ =	sdelay $0x5  }
0x14d: {  	v29 =	vld [tilespmem:s2+$0x1D950];
	[tilespmem:v20+s29+$0x0] =	vst.idx.msk $0xffff, v9  }
0x14e: {  	v27 =	vld.idx.msk [tilespmem:v20+s29+$0x0], $0xffff  }
0x14f: {  	v21 =	vld.idx.msk [tilespmem:v28+s3+$0x0], $0xffff;
	_ =	sdelay $0x1  }
0x150: {  	v23 =	vld.idx.msk [tilespmem:v20+s24+$0x0], $0xffff;
	_ =	sdelay $0x1  }
0x151: {  	v22 =	vmul.f32 v29, v12;
	v24 =	vmul.f32 v29, v13;
	vm0 =	veq.s32 v27, v9  }
0x152: {  	v25 =	vunpack.i.u.bf16.f32 v21;
	v21 =	vunpack.i.l.bf16.f32 v21  }
0x153: {  	v21 =	vadd.f32 v21, v22;
	v22 =	vadd.f32 v25, v24  }
0x154: {  	v24 =	vunpack.i.u.bf16.f32 v23;
	v23 =	vunpack.i.l.bf16.f32 v23  }
0x155: {  	v23 =	vmax.f32 v23, v21;
	v24 =	vmax.f32 v24, v22  }
0x156: {  	v23 =	vpack.i.f32.bf16 v24, v23  }
0x157: {  	[tilespmem:v20+s24+$0x0] =	vst.idx.msk vm0, v23  }
0x158: {  	v23 =	vld.idx.msk [tilespmem:v28+s17+$0x0], $0xffff;
	_ =	sdelay $0x3  }
0x159: {  	v26 =	vmul.f32 v29, v15;
	v24 =	vmul.f32 v29, v14;
	v25 =	vld.idx.msk [tilespmem:v20+s25+$0x0], $0xffff  }
0x15a: {  	v30 =	vunpack.i.u.bf16.f32 v23;
	v23 =	vunpack.i.l.bf16.f32 v23  }
0x15b: {  	v23 =	vadd.f32 v23, v24;
	v24 =	vadd.f32 v30, v26;
	v26 =	vsel vm0, $0x0, v10  }
0x15c: {  	(xrf0) =	vmax.scan.msk.f32 $0xffff, v26;
	_ =	sdelay $0x1  }
0x15d: {  	v30 =	vunpack.i.u.bf16.f32 v25  }
0x15e: {  	v25 =	vunpack.i.l.bf16.f32 v25;
	v26 =	vmax.f32 v30, v24  }
0x15f: {  	v25 =	vmax.f32 v25, v23  }
0x160: {  	v25 =	vpack.i.f32.bf16 v26, v25  }
0x161: {  	[tilespmem:v20+s25+$0x0] =	vst.idx.msk vm0, v25;
	v26, _, _ =	vpop (xrf0)  }
0x162: {  	v25 =	vld.idx.msk [tilespmem:v28+s18+$0x0], $0xffff;
	(v2sf) =	vpush v26, $0xF;
	_ =	sdelay $0x1  }
0x163: {  	v30 =	vld.idx.msk [tilespmem:v20+s26+$0x0], $0xffff;
	_ =	sdelay $0x1  }
0x164: {  	v31 =	vmul.f32 v29, v17;
	v26 =	vmul.f32 v29, v16  }
0x165: {  	v32 =	vunpack.i.u.bf16.f32 v25;
	v25 =	vunpack.i.l.bf16.f32 v25  }
0x166: {  	v25 =	vadd.f32 v25, v26;
	v26 =	vadd.f32 v32, v31  }
0x167: {  	v31 =	vunpack.i.u.bf16.f32 v30;
	v30 =	vunpack.i.l.bf16.f32 v30  }
0x168: {  	v30 =	vmax.f32 v30, v25;
	v31 =	vmax.f32 v31, v26  }
0x169: {  	v30 =	vpack.i.f32.bf16 v31, v30  }
0x16a: {  	[tilespmem:v20+s26+$0x0] =	vst.idx.msk vm0, v30  }
0x16b: {  	v28 =	vld.idx.msk [tilespmem:v28+s19+$0x0], $0xffff;
	_ =	sdelay $0x1  }
0x16c: {  	v30 =	vld.idx.msk [tilespmem:v20+s28+$0x0], $0xffff;
	_ =	sdelay $0x1  }
0x16d: {  	v31 =	vmul.f32 v29, v18;
	v29 =	vmul.f32 v29, v19;
	s20 =	spop (v2sf)  }
0x16e: {  	v63 =	vunpack.i.u.bf16.f32 v28;
	v28 =	vunpack.i.l.bf16.f32 v28;
	p1 =	sgt.f32 s20, $0.0e+00  }
.Ltmp14:
0x16f: {  	v28 =	vadd.f32 v28, v31;
	v29 =	vadd.f32 v63, v29;
	(pc) =	sbr.rel @!p1 .LBB2_19-.Ltmp14, $4  }
0x170: {  	v31 =	vunpack.i.u.bf16.f32 v30;
	v30 =	vunpack.i.l.bf16.f32 v30  }
0x171: {  	v30 =	vmax.f32 v30, v28;
	v31 =	vmax.f32 v31, v29  }
0x172: {  	v30 =	vpack.i.f32.bf16 v31, v30  }
0x173: {  	[tilespmem:v20+s28+$0x0] =	vst.idx.msk vm0, v30  }
0x174: {  	vm0 =	vne.s32 v27, v9  }
.LBB2_18:
0x175: {  	[tilespmem:v20+s29+$0x0] =	vst.idx.msk vm0, v9  }
0x176: {  	v27 =	vld.idx.msk [tilespmem:v20+s29+$0x0], $0xffff;
	_ =	sdelay $0x3  }
0x177: {  	v30 =	vld.idx.msk [tilespmem:v20+s24+$0x0], $0xffff  }
0x178: {  	vm1 =	veq.s32 v27, v9  }
0x179: {  	vm1 =	vmand vm0, vm1;
	_ =	sdelay $0x2  }
0x17a: {  	v27 =	vunpack.i.u.bf16.f32 v30;
	v30 =	vunpack.i.l.bf16.f32 v30  }
0x17b: {  	v30 =	vmax.f32 v30, v21;
	v27 =	vmax.f32 v27, v22  }
0x17c: {  	v27 =	vpack.i.f32.bf16 v27, v30  }
0x17d: {  	[tilespmem:v20+s24+$0x0] =	vst.idx.msk vm1, v27  }
0x17e: {  	v27 =	vld.idx.msk [tilespmem:v20+s25+$0x0], $0xffff  }
0x17f: {  	vm0 =	vmxor vm0, vm1  }
0x180: {  	v30 =	vsel vm0, $0x3F800000, v11  }
0x181: {  	(xrf0) =	vmax.scan.msk.f32 $0xffff, v30;
	_ =	sdelay $0x1  }
0x182: {  	v30 =	vunpack.i.u.bf16.f32 v27  }
0x183: {  	v30 =	vmax.f32 v30, v24  }
0x184: {  	v27 =	vunpack.i.l.bf16.f32 v27  }
0x185: {  	v27 =	vmax.f32 v27, v23  }
0x186: {  	v27 =	vpack.i.f32.bf16 v30, v27;
	v30, _, _ =	vpop (xrf0)  }
0x187: {  	(v2sf) =	vpush v30, $0xF;
	_ =	sdelay $0x2  }
0x188: {  	[tilespmem:v20+s25+$0x0] =	vst.idx.msk vm1, v27  }
0x189: {  	v27 =	vld.idx.msk [tilespmem:v20+s26+$0x0], $0xffff;
	_ =	sdelay $0x4  }
0x18a: {  	v30 =	vunpack.i.u.bf16.f32 v27;
	v27 =	vunpack.i.l.bf16.f32 v27  }
0x18b: {  	v27 =	vmax.f32 v27, v25;
	v30 =	vmax.f32 v30, v26  }
0x18c: {  	v27 =	vpack.i.f32.bf16 v30, v27  }
0x18d: {  	[tilespmem:v20+s26+$0x0] =	vst.idx.msk vm1, v27  }
0x18e: {  	v27 =	vld.idx.msk [tilespmem:v20+s28+$0x0], $0xffff;
	_ =	sdelay $0x1  }
0x18f: {  	s2 =	spop (v2sf)  }
0x190: {  	p1 =	sgt.f32 s2, $0.0e+00  }
.Ltmp15:
0x191: {  	_ = 	snop;
	(pc) =	sbr.rel @p1 .LBB2_18-.Ltmp15, $4  }
0x192: {  	v30 =	vunpack.i.u.bf16.f32 v27;
	v27 =	vunpack.i.l.bf16.f32 v27  }
0x193: {  	v27 =	vmax.f32 v27, v28;
	v30 =	vmax.f32 v30, v29  }
0x194: {  	v27 =	vpack.i.f32.bf16 v30, v27  }
0x195: {  	[tilespmem:v20+s28+$0x0] =	vst.idx.msk vm1, v27  }
.Ltmp16:
0x196: {  	_ = 	snop;
	(pc) =	sbr.rel .LBB2_19-.Ltmp16, $1  }
0x197: {  	_ =	sdelay $0x3  }
.LBB2_20:
.Ltmp17:
0x198: {  	(pc) =	sbr.rel @p0 .LBB2_22-.Ltmp17, $1  }
0x199: {  	_ =	sdelay $0x3  }
0x19a: {  	s1 =	smul.u32 $0x5DC0, s0  }
.Ltmp18:
0x19b: {  	_ = 	snop;
	(pc) =	sbr.rel .LBB2_4-.Ltmp18, $4  }
0x19c: {  	s1 =	sshrl.u32 s1, $0x3  }
0x19d: {  	s1 =	sadd.s32 s4, s1  }
0x19e: {  	s0 =	sadd.s32 $0x1, s0;
	s1 =	sadd.s32 $0x1194, s1  }
0x19f: {  	[tilespmem:s21], [sflag:$0x2] =	stream.linear.gather [hbm4b:s1+s3], $0x2EE0, $0x38;
	[tilespmem:$0x1EA00] =	vst v63  }
.LBB2_23:
0x1a0: {  	_ =	sfence.sel $0x180000  }
0x1a1: {  	[bflag:$0x0] =	sbarrier.arrive $0xFFFF  }
0x1a2: {  	_ =	strace $0x90000047  }
0x1a3: {  	s0 =	stileid.u32;
	[bflag:$0x2] =	sbarrier.arrive $0xFFFF  }
0x1a4: {  	p0 =	sne.s32 s0, $0x0;
	s0 =	rddreg [dreg:$0x4]  }
0x1a5: {  	s0 =	sadd.s32 @!p0 $0x100000, s0  }
0x1a6: {  	[sflag:s0] =	ssyncadd.tile.s32 @!p0 $0x1;
	_ =	shalt  }
.Lfunc_end2:
_tile_overlayer_lowered:
.L_overlay_start_2:
0x1a7: {  	(tag) =	ssettag $0x2  }
0x1a8: {  	s0 =	rddreg [dreg:$0x0];
	s2 =	stileid.u32  }
0x1a9: {  	s1 =	rddreg [dreg:$0x1];
	p0 =	sne.s32 s2, $0x0  }
0x1aa: {  	s3 =	rddreg [dreg:$0x2];
	[bflag:$0x3] =	sbarrier.arrive $0xFFFF;
	s2 =	simm.s32 @!p0 $0x1C03  }
0x1ab: {  	[timem:s3], [sflag:s2] =	dma.local @!p0 [hbm:s0], s1  }
0x1ac: {  	s0 =	simm.s32 @!p0 $0x3  }
0x1ad: {  	_ =	swait.ge @!p0 [sflag:s0], s1  }
0x1ae: {  	s1 =	ssub.s32 @!p0 $0x0, s1;
	[sflag:s0] =	ssyncset.done @!p0 $0x0  }
0x1af: {  	[sflag:s0] =	ssyncadd.s32 @!p0 s1  }
0x1b0: {  	[bflag:$0x3] =	sbarrier.arrive $0xFFFF  }
0x1b1: {  	_ =	shalt  }

</sc_bundles>
